<compile_context>
chip_gen: v7x
topology: tpu7x:2x2x1
jax: 0.10.2.dev20260603
libtpu: 0.0.44.dev20260713+nightly
codegen_flags: <defaults>
</compile_context>

<pallas_src>
import functools
import math

import jax
import jax.numpy as jnp
from jax import lax
from jax.experimental import pallas as pl
from jax.experimental.pallas import tpu as pltpu
from jax.experimental.pallas import tpu_sc as plsc

N = 2048
D = 1024
E = 8
TOPK = 2
DB = 128
BLK = 256
NBLK = 24
P = NBLK * BLK
NW = 32
TPW = N // NW


def _router_body(x_ref, wr_ref, dest_ref, wnorm_ref, plan_ref, stats_ref,
                 s1_ref, s2_ref):
    x = x_ref[...]
    logits = jnp.dot(x, wr_ref[...], preferred_element_type=jnp.float32)
    m = jnp.max(logits, axis=1, keepdims=True)
    ex = jnp.exp(logits - m)
    probs = ex / jnp.sum(ex, axis=1, keepdims=True)

    iota8 = lax.broadcasted_iota(jnp.int32, (N, E), 1)
    m1 = jnp.max(probs, axis=1, keepdims=True)
    c1 = jnp.where(probs == m1, iota8, E)
    i1 = jnp.min(c1, axis=1, keepdims=True)
    sel1 = iota8 == i1
    p2 = jnp.where(sel1, -1.0, probs)
    m2 = jnp.max(p2, axis=1, keepdims=True)
    c2 = jnp.where(p2 == m2, iota8, E)
    i2 = jnp.min(c2, axis=1, keepdims=True)
    sel2 = iota8 == i2

    denom = m1 + m2
    wnorm_ref[...] = jnp.concatenate([m1 / denom, m2 / denom], axis=1)

    maskf = (sel1 | sel2).astype(jnp.float32)
    s1_ref[...] = sel1.astype(jnp.float32)
    s2_ref[...] = sel2.astype(jnp.float32)

    f = jnp.sum(maskf, axis=0) / jnp.float32(N * TOPK)
    pbar = jnp.sum(probs, axis=0) / jnp.float32(N)
    lb = jnp.float32(E) * jnp.sum(f * pbar)
    vio = jnp.max(f) * jnp.float32(E) - 1.0
    li = lax.broadcasted_iota(jnp.int32, (1, 128), 1)
    stats_ref[...] = jnp.where(li == 0, lb, jnp.where(li == 1, vio, 0.0))

    c = maskf
    s = 1
    while s < N:
        c = c + jnp.concatenate([jnp.zeros((s, E), jnp.float32), c[:-s]], axis=0)
        s *= 2
    excl = c - maskf
    cnt_row = c[N - 1:N, :]

    cnt_col = cnt_row.T
    cpad_col = jnp.ceil(cnt_col / BLK) * BLK
    nblk_col = cpad_col / BLK
    er = lax.broadcasted_iota(jnp.int32, (E, E), 0).astype(jnp.float32)
    ec = lax.broadcasted_iota(jnp.int32, (E, E), 1).astype(jnp.float32)
    tmat = (ec < er).astype(jnp.float32)
    off_col = jnp.dot(tmat, cpad_col, preferred_element_type=jnp.float32)
    offblk_col = off_col / BLK
    off_row = off_col.T

    dest1 = jnp.sum(jnp.where(sel1, excl + off_row, 0.0), axis=1, keepdims=True)
    dest2 = jnp.sum(jnp.where(sel2, excl + off_row, 0.0), axis=1, keepdims=True)
    dest_ref[...] = jnp.concatenate([dest1, dest2], axis=1).astype(jnp.int32)

    ii = lax.broadcasted_iota(jnp.int32, (E, 32), 1).astype(jnp.float32)
    eio = lax.broadcasted_iota(jnp.int32, (E, 32), 0).astype(jnp.float32)
    belongs = (ii >= offblk_col) & (ii < offblk_col + nblk_col)
    blk_e = jnp.sum(jnp.where(belongs, eio, 0.0), axis=0, keepdims=True)
    blk_local = jnp.sum(jnp.where(belongs, ii - offblk_col, 0.0), axis=0, keepdims=True)
    blk_rowstart = jnp.sum(jnp.where(belongs, off_col, 0.0), axis=0, keepdims=True)
    blk_cnt = jnp.sum(jnp.where(belongs, cnt_col, 0.0), axis=0, keepdims=True)
    plan_ref[...] = jnp.concatenate(
        [blk_e, blk_local, blk_rowstart, blk_cnt], axis=0).astype(jnp.int32)


def _pack_body(x_hbm, d0_hbm, d1_hbm, packed_hbm, xv, i0v, i1v, sem):
    cid = lax.axis_index("c")
    sid = lax.axis_index("s")
    wid = sid * 2 + cid
    base = wid * TPW
    pltpu.sync_copy(x_hbm.at[pl.ds(base, TPW)], xv)
    pltpu.sync_copy(d0_hbm.at[wid], i0v)
    pltpu.sync_copy(d1_hbm.at[wid], i1v)
    cp0 = pltpu.async_copy(xv, packed_hbm.at[i0v], sem)
    cp1 = pltpu.async_copy(xv, packed_hbm.at[i1v], sem)
    cp0.wait()
    cp1.wait()


def _attn_body(be_ref, bl_ref, brs_ref, bc_ref,
               x_ref, wq_ref, wk_ref, wv_ref,
               out_ref, k_sc, v_sc):
    i = pl.program_id(0)
    e = be_ref[i]
    local = bl_ref[i]
    rowstart = brs_ref[i]
    cnt = bc_ref[i]
    scale = jnp.float32(1.0 / math.sqrt(DB))

    @pl.when(cnt > 0)
    def _work():
        rio = lax.broadcasted_iota(jnp.int32, (BLK, 1), 0)
        valid = (local * BLK + rio) < cnt
        x = (x_ref[...] * valid.astype(jnp.float32)).astype(jnp.bfloat16)
        q = jnp.dot(x, wq_ref[e], preferred_element_type=jnp.float32) * scale
        k_sc[pl.ds(i * BLK, BLK), :] = jnp.dot(
            x, wk_ref[e], preferred_element_type=jnp.float32).astype(jnp.bfloat16)
        v_sc[pl.ds(i * BLK, BLK), :] = jnp.dot(
            x, wv_ref[e], preferred_element_type=jnp.float32).astype(jnp.bfloat16)

        qio = local * BLK + lax.broadcasted_iota(jnp.int32, (BLK, BLK), 0)
        kio0 = lax.broadcasted_iota(jnp.int32, (BLK, BLK), 1)

        def body(j, carry):
            mx, l, acc = carry
            off = pl.multiple_of(rowstart + j * BLK, BLK)
            kj = k_sc[pl.ds(off, BLK), :]
            vj = v_sc[pl.ds(off, BLK), :]
            s = lax.dot_general(q.astype(jnp.bfloat16), kj,
                                (((1,), (1,)), ((), ())),
                                preferred_element_type=jnp.float32)
            kio = j * BLK + kio0
            allowed = (kio <= qio) & (kio < cnt)
            s = jnp.where(allowed, s, jnp.float32(-1e9))
            mn = jnp.maximum(mx, jnp.max(s, axis=1, keepdims=True))
            p = jnp.exp(s - mn)
            corr = jnp.exp(mx - mn)
            l = l * corr + jnp.sum(p, axis=1, keepdims=True)
            acc = acc * corr + jnp.dot(p.astype(jnp.bfloat16), vj,
                                       preferred_element_type=jnp.float32)
            return mn, l, acc

        mx0 = jnp.full((BLK, 1), -1e30, jnp.float32)
        l0 = jnp.zeros((BLK, 1), jnp.float32)
        acc0 = jnp.zeros((BLK, DB), jnp.float32)
        _, l, acc = lax.fori_loop(0, local + 1, body, (mx0, l0, acc0))
        out_ref[...] = acc / l


def _unpack_body(outp_hbm, d0_hbm, d1_hbm, c0_hbm, c1_hbm, g0v, g1v,
                 i0v, i1v, sem):
    cid = lax.axis_index("c")
    sid = lax.axis_index("s")
    wid = sid * 2 + cid
    base = wid * TPW
    pltpu.sync_copy(d0_hbm.at[wid], i0v)
    pltpu.sync_copy(d1_hbm.at[wid], i1v)
    cp0 = pltpu.async_copy(outp_hbm.at[i0v], g0v, sem)
    cp1 = pltpu.async_copy(outp_hbm.at[i1v], g1v, sem)
    cp0.wait()
    cp1.wait()
    pltpu.sync_copy(g0v, c0_hbm.at[pl.ds(base, TPW)])
    pltpu.sync_copy(g1v, c1_hbm.at[pl.ds(base, TPW)])


def _combine_body(c0_ref, c1_ref, wn_ref, s1_ref, s2_ref, wo_ref, out_ref):
    c0 = c0_ref[...] * wn_ref[:, 0:1]
    c1 = c1_ref[...] * wn_ref[:, 1:2]
    acc = jnp.zeros((BLK, D), jnp.float32)
    for e in range(E):
        v = (c0 * s1_ref[:, e:e + 1] + c1 * s2_ref[:, e:e + 1])
        acc = acc + jnp.dot(v.astype(jnp.bfloat16), wo_ref[e],
                            preferred_element_type=jnp.float32)
    out_ref[...] = acc


@functools.lru_cache(maxsize=None)
def _sc_kernels():
    mesh = plsc.VectorSubcoreMesh(core_axis_name="c", subcore_axis_name="s")
    pack = pl.kernel(
        _pack_body,
        out_type=jax.ShapeDtypeStruct((P, D), jnp.float32),
        mesh=mesh,
        scratch_types=[
            pltpu.VMEM((TPW, D), jnp.float32),
            pltpu.VMEM((TPW,), jnp.int32),
            pltpu.VMEM((TPW,), jnp.int32),
            pltpu.SemaphoreType.DMA,
        ],
    )
    unpack = pl.kernel(
        _unpack_body,
        out_type=(
            jax.ShapeDtypeStruct((N, DB), jnp.float32),
            jax.ShapeDtypeStruct((N, DB), jnp.float32),
        ),
        mesh=mesh,
        scratch_types=[
            pltpu.VMEM((TPW, DB), jnp.float32),
            pltpu.VMEM((TPW, DB), jnp.float32),
            pltpu.VMEM((TPW,), jnp.int32),
            pltpu.VMEM((TPW,), jnp.int32),
            pltpu.SemaphoreType.DMA,
        ],
    )
    return pack, unpack


@jax.jit
def kernel(hidden_states, position_ids, Wr, Wq, Wk, Wv, Wo):
    x = hidden_states[0]

    dest, wnorm, plan, stats, s1, s2 = pl.pallas_call(
        _router_body,
        out_shape=(
            jax.ShapeDtypeStruct((N, TOPK), jnp.int32),
            jax.ShapeDtypeStruct((N, TOPK), jnp.float32),
            jax.ShapeDtypeStruct((4, 32), jnp.int32),
            jax.ShapeDtypeStruct((1, 128), jnp.float32),
            jax.ShapeDtypeStruct((N, E), jnp.float32),
            jax.ShapeDtypeStruct((N, E), jnp.float32),
        ),
    )(x, Wr)

    d0 = dest[:, 0].reshape(NW, TPW)
    d1 = dest[:, 1].reshape(NW, TPW)

    pack_fn, _ = _sc_kernels()
    packed = pack_fn(x, d0, d1)

    be = plan[0, :NBLK]
    bl = plan[1, :NBLK]
    brs = plan[2, :NBLK]
    bc = plan[3, :NBLK]

    outp = pl.pallas_call(
        _attn_body,
        grid_spec=pltpu.PrefetchScalarGridSpec(
            num_scalar_prefetch=4,
            grid=(NBLK,),
            in_specs=[
                pl.BlockSpec((BLK, D),
                             lambda i, be, bl, brs, bc: (jnp.where(bc[i] > 0, i, 0), 0)),
                pl.BlockSpec((E, D, DB), lambda i, be, bl, brs, bc: (0, 0, 0)),
                pl.BlockSpec((E, D, DB), lambda i, be, bl, brs, bc: (0, 0, 0)),
                pl.BlockSpec((E, D, DB), lambda i, be, bl, brs, bc: (0, 0, 0)),
            ],
            out_specs=pl.BlockSpec((BLK, DB), lambda i, be, bl, brs, bc: (i, 0)),
            scratch_shapes=[
                pltpu.VMEM((P, DB), jnp.bfloat16),
                pltpu.VMEM((P, DB), jnp.bfloat16),
            ],
        ),
        out_shape=jax.ShapeDtypeStruct((P, DB), jnp.float32),
    )(be, bl, brs, bc, packed,
      Wq.astype(jnp.bfloat16), Wk.astype(jnp.bfloat16),
      Wv.astype(jnp.bfloat16))

    _, unpack_fn = _sc_kernels()
    c0, c1 = unpack_fn(outp, d0, d1)

    fin = pl.pallas_call(
        _combine_body,
        grid=(N // BLK,),
        in_specs=[
            pl.BlockSpec((BLK, DB), lambda i: (i, 0)),
            pl.BlockSpec((BLK, DB), lambda i: (i, 0)),
            pl.BlockSpec((BLK, TOPK), lambda i: (i, 0)),
            pl.BlockSpec((BLK, E), lambda i: (i, 0)),
            pl.BlockSpec((BLK, E), lambda i: (i, 0)),
            pl.BlockSpec((E, DB, D), lambda i: (0, 0, 0)),
        ],
        out_specs=pl.BlockSpec((BLK, D), lambda i: (i, 0)),
        out_shape=jax.ShapeDtypeStruct((N, D), jnp.float32),
    )(c0, c1, wnorm, s1, s2, Wo.astype(jnp.bfloat16))

    return fin[None], stats[0, 0], stats[0, 1]

# --- scband reference (transcript-rebuilt; emitter-appended) ---
"""Pipeline reference for scband-mo-srahlayer-67190468378644 (READ-ONLY COPY).

The authoritative reference and input builder live on the scoring server;
editing this copy changes nothing except your own understanding.
"""

import jax, jax.numpy as jnp
import numpy as np

B, N, D = 1, 2048, 1024
E, TOPK, DB = 8, 2, 128


def setup_inputs(seed: int = 0):
    key = jax.random.key(seed)
    ks = jax.random.split(key, 6)
    hidden_states = jax.random.normal(ks[0], (B, N, D), dtype=jnp.float32)
    position_ids = jnp.arange(B * N, dtype=jnp.int32).reshape(B, N)
    Wr = jax.random.normal(ks[1], (D, E), dtype=jnp.float32) * 0.02
    Wq = jax.random.normal(ks[2], (E, D, DB), dtype=jnp.float32) * 0.02
    Wk = jax.random.normal(ks[3], (E, D, DB), dtype=jnp.float32) * 0.02
    Wv = jax.random.normal(ks[4], (E, D, DB), dtype=jnp.float32) * 0.02
    Wo = jax.random.normal(ks[5], (E, DB, D), dtype=jnp.float32) * 0.02
    return {"hidden_states": hidden_states, "position_ids": position_ids,
            "Wr": Wr, "Wq": Wq, "Wk": Wk, "Wv": Wv, "Wo": Wo}


def reference(hidden_states, position_ids, Wr, Wq, Wk, Wv, Wo):
    x = hidden_states
    # --- MoSRAHRouter: token-choice top-k routing over attention-head experts ---
    logits = jnp.einsum('bnd,de->bne', x, Wr)
    probs = jax.nn.softmax(logits, axis=-1)
    top_vals, top_idx = jax.lax.top_k(probs, TOPK)
    routing_probs = top_vals / jnp.sum(top_vals, axis=-1, keepdims=True)
    one_hot = jax.nn.one_hot(top_idx, E, dtype=jnp.float32)        # (B,N,k,E)
    expert_mask = jnp.max(one_hot, axis=2)                          # (B,N,E)
    f = jnp.mean(jnp.sum(one_hot, axis=2), axis=(0, 1)) / TOPK      # dispatch fraction per expert
    P = jnp.mean(probs, axis=(0, 1))                                # mean router prob per expert
    load_balance_loss = E * jnp.sum(f * P)
    max_vio = jax.lax.stop_gradient(jnp.max(f) * E - 1.0)
    # --- pack_experts (equivalent dense-masked form) + BottleneckedEnsembleAttention ---
    q = jnp.einsum('bnd,edh->ebnh', x, Wq)
    k = jnp.einsum('bnd,edh->ebnh', x, Wk)
    v = jnp.einsum('bnd,edh->ebnh', x, Wv)
    scores = jnp.einsum('ebnh,ebmh->ebnm', q, k) / jnp.sqrt(jnp.float32(DB))
    causal = (position_ids[:, :, None] >= position_ids[:, None, :])[None]   # (1,B,N,N)
    active = jnp.moveaxis(expert_mask, -1, 0)                                # (E,B,N)
    allowed = causal & (active[:, :, None, :] > 0.5)
    scores = jnp.where(allowed, scores, jnp.float32(-1e9))
    attn = jax.nn.softmax(scores, axis=-1)
    ctx = jnp.einsum('ebnm,ebmh->ebnh', attn, v)
    out_e = jnp.einsum('ebnh,ehd->ebnd', ctx, Wo)
    out_e = out_e * active[..., None]                                        # zero inactive (unpack masking)
    # --- unpack_experts: gather each token's selected-expert outputs ---
    out_perm = jnp.moveaxis(out_e, 0, 2)                                     # (B,N,E,D)
    token_choice = jnp.take_along_axis(out_perm, top_idx[..., None], axis=2) # (B,N,k,D)
    final_output = jnp.sum(token_choice * routing_probs[..., None], axis=2)
    return (final_output, load_balance_loss, max_vio)

if __name__ == "__main__":
    import jax
    _d = setup_inputs()
    print(jax.jit(kernel)(*tuple(_d.values())))

</pallas_src>

<mosaic_0001>
#map = affine_map<(d0, d1) -> (0, 0)>
module attributes {stable_mosaic.version = 14 : i64} {
  func.func @_unpack_body(%arg0: i32, %arg1: i32, %arg2: memref<6144x128xf32, #tpu.memory_space<hbm>>, %arg3: memref<32x64xi32, #tpu.memory_space<hbm>>, %arg4: memref<32x64xi32, #tpu.memory_space<hbm>>, %arg5: memref<2048x128xf32, #tpu.memory_space<hbm>>, %arg6: memref<2048x128xf32, #tpu.memory_space<hbm>>, %arg7: memref<64x128xf32, #tpu.memory_space<vmem>>, %arg8: memref<64x128xf32, #tpu.memory_space<vmem>>, %arg9: memref<64xi32, #tpu.memory_space<vmem>>, %arg10: memref<64xi32, #tpu.memory_space<vmem>>, %arg11: memref<!tpu.dma_semaphore, #tpu.memory_space<semaphore_mem>>) attributes {dimension_semantics = [#tpu.dimension_semantics<core_parallel>, #tpu.dimension_semantics<subcore_parallel>], iteration_bounds = array<i64: 2, 16>, scalar_prefetch = 0 : i64, scratch_operands = 5 : i64, tpu.core_type = #tpu.core_type<sc_vector_subcore>, window_params = [{transform_indices = #map}, {transform_indices = #map}, {transform_indices = #map}, {transform_indices = #map}, {transform_indices = #map}]} {
    %mul3A = arith.constant 2 : i32
    %mul3A_0 = arith.muli %arg1, %mul3A : i32
    %add3A = arith.addi %mul3A_0, %arg0 : i32
    %mul3A_1 = arith.constant 64 : i32
    %mul3A_2 = arith.muli %add3A, %mul3A_1 : i32
    "tpu.region"() ({
      %run_scoped3A = tpu.sem_alloc : memref<!tpu.dma_semaphore, #tpu.memory_space<semaphore_mem>>
      %dma_start3A_13 = arith.constant 0 : i32
      %dma_start3A_14 = tpu.memref_slice %arg3[%add3A, %dma_start3A_13] : memref<32x64xi32, #tpu.memory_space<hbm>> -> memref<1x64xi32, #tpu.memory_space<hbm>>
      %dma_start3A_15 = tpu.memref_squeeze %dma_start3A_14 : memref<1x64xi32, #tpu.memory_space<hbm>> -> memref<64xi32, #tpu.memory_space<hbm>>
      %dma_start3A_16 = arith.constant 0 : i32
      %dma_start3A_17 = tpu.memref_slice %arg3[%add3A, %dma_start3A_16] : memref<32x64xi32, #tpu.memory_space<hbm>> -> memref<1x64xi32, #tpu.memory_space<hbm>>
      %dma_start3A_18 = tpu.memref_squeeze %dma_start3A_17 : memref<1x64xi32, #tpu.memory_space<hbm>> -> memref<64xi32, #tpu.memory_space<hbm>>
      tpu.enqueue_dma source(%dma_start3A_18 : memref<64xi32, #tpu.memory_space<hbm>>) target(%arg9 : memref<64xi32, #tpu.memory_space<vmem>>) target_semaphore(%run_scoped3A : memref<!tpu.dma_semaphore, #tpu.memory_space<semaphore_mem>>)
      %dma_wait3A_19 = arith.constant 0 : i32
      %dma_wait3A_20 = tpu.memref_slice %arg3[%add3A, %dma_wait3A_19] : memref<32x64xi32, #tpu.memory_space<hbm>> -> memref<1x64xi32, #tpu.memory_space<hbm>>
      %dma_wait3A_21 = tpu.memref_squeeze %dma_wait3A_20 : memref<1x64xi32, #tpu.memory_space<hbm>> -> memref<64xi32, #tpu.memory_space<hbm>>
      %dma_wait3A_22 = arith.constant 0 : i32
      %dma_wait3A_23 = tpu.memref_slice %arg3[%add3A, %dma_wait3A_22] : memref<32x64xi32, #tpu.memory_space<hbm>> -> memref<1x64xi32, #tpu.memory_space<hbm>>
      %dma_wait3A_24 = tpu.memref_squeeze %dma_wait3A_23 : memref<1x64xi32, #tpu.memory_space<hbm>> -> memref<64xi32, #tpu.memory_space<hbm>>
      tpu.wait_dma2 semaphore(%run_scoped3A : memref<!tpu.dma_semaphore, #tpu.memory_space<semaphore_mem>>) src(%dma_wait3A_24 : memref<64xi32, #tpu.memory_space<hbm>>) dst(%arg9 : memref<64xi32, #tpu.memory_space<vmem>>)
      tpu.yield
    }) : () -> ()
    "tpu.region"() ({
      %run_scoped3A = tpu.sem_alloc : memref<!tpu.dma_semaphore, #tpu.memory_space<semaphore_mem>>
      %dma_start3A_13 = arith.constant 0 : i32
      %dma_start3A_14 = tpu.memref_slice %arg4[%add3A, %dma_start3A_13] : memref<32x64xi32, #tpu.memory_space<hbm>> -> memref<1x64xi32, #tpu.memory_space<hbm>>
      %dma_start3A_15 = tpu.memref_squeeze %dma_start3A_14 : memref<1x64xi32, #tpu.memory_space<hbm>> -> memref<64xi32, #tpu.memory_space<hbm>>
      %dma_start3A_16 = arith.constant 0 : i32
      %dma_start3A_17 = tpu.memref_slice %arg4[%add3A, %dma_start3A_16] : memref<32x64xi32, #tpu.memory_space<hbm>> -> memref<1x64xi32, #tpu.memory_space<hbm>>
      %dma_start3A_18 = tpu.memref_squeeze %dma_start3A_17 : memref<1x64xi32, #tpu.memory_space<hbm>> -> memref<64xi32, #tpu.memory_space<hbm>>
      tpu.enqueue_dma source(%dma_start3A_18 : memref<64xi32, #tpu.memory_space<hbm>>) target(%arg10 : memref<64xi32, #tpu.memory_space<vmem>>) target_semaphore(%run_scoped3A : memref<!tpu.dma_semaphore, #tpu.memory_space<semaphore_mem>>)
      %dma_wait3A_19 = arith.constant 0 : i32
      %dma_wait3A_20 = tpu.memref_slice %arg4[%add3A, %dma_wait3A_19] : memref<32x64xi32, #tpu.memory_space<hbm>> -> memref<1x64xi32, #tpu.memory_space<hbm>>
      %dma_wait3A_21 = tpu.memref_squeeze %dma_wait3A_20 : memref<1x64xi32, #tpu.memory_space<hbm>> -> memref<64xi32, #tpu.memory_space<hbm>>
      %dma_wait3A_22 = arith.constant 0 : i32
      %dma_wait3A_23 = tpu.memref_slice %arg4[%add3A, %dma_wait3A_22] : memref<32x64xi32, #tpu.memory_space<hbm>> -> memref<1x64xi32, #tpu.memory_space<hbm>>
      %dma_wait3A_24 = tpu.memref_squeeze %dma_wait3A_23 : memref<1x64xi32, #tpu.memory_space<hbm>> -> memref<64xi32, #tpu.memory_space<hbm>>
      tpu.wait_dma2 semaphore(%run_scoped3A : memref<!tpu.dma_semaphore, #tpu.memory_space<semaphore_mem>>) src(%dma_wait3A_24 : memref<64xi32, #tpu.memory_space<hbm>>) dst(%arg10 : memref<64xi32, #tpu.memory_space<vmem>>)
      tpu.yield
    }) : () -> ()
    %dma_start3A = arith.constant 0 : i32
    %dma_start3A_3 = arith.constant 0 : i32
    %dma_start3A_4 = tpu.memref_slice %arg2[%dma_start3A, %dma_start3A_3] : memref<6144x128xf32, #tpu.memory_space<hbm>> -> memref<6144x128xf32, #tpu.memory_space<hbm>>
    tpu.enqueue_indirect_dma source(%dma_start3A_4 : memref<6144x128xf32, #tpu.memory_space<hbm>>) target(%arg7 : memref<64x128xf32, #tpu.memory_space<vmem>>) offsets(%arg9 : memref<64xi32, #tpu.memory_space<vmem>>) semaphore(%arg11 : memref<!tpu.dma_semaphore, #tpu.memory_space<semaphore_mem>>)
    %dma_start3A_5 = arith.constant 0 : i32
    %dma_start3A_6 = arith.constant 0 : i32
    %dma_start3A_7 = tpu.memref_slice %arg2[%dma_start3A_5, %dma_start3A_6] : memref<6144x128xf32, #tpu.memory_space<hbm>> -> memref<6144x128xf32, #tpu.memory_space<hbm>>
    tpu.enqueue_indirect_dma source(%dma_start3A_7 : memref<6144x128xf32, #tpu.memory_space<hbm>>) target(%arg8 : memref<64x128xf32, #tpu.memory_space<vmem>>) offsets(%arg10 : memref<64xi32, #tpu.memory_space<vmem>>) semaphore(%arg11 : memref<!tpu.dma_semaphore, #tpu.memory_space<semaphore_mem>>)
    %dma_wait3A = arith.constant 0 : i32
    %dma_wait3A_8 = arith.constant 0 : i32
    %dma_wait3A_9 = tpu.memref_slice %arg2[%dma_wait3A, %dma_wait3A_8] : memref<6144x128xf32, #tpu.memory_space<hbm>> -> memref<6144x128xf32, #tpu.memory_space<hbm>>
    tpu.wait_indirect_dma semaphore(%arg11 : memref<!tpu.dma_semaphore, #tpu.memory_space<semaphore_mem>>) src(%dma_wait3A_9 : memref<6144x128xf32, #tpu.memory_space<hbm>>) dst(%arg7 : memref<64x128xf32, #tpu.memory_space<vmem>>)
    %dma_wait3A_10 = arith.constant 0 : i32
    %dma_wait3A_11 = arith.constant 0 : i32
    %dma_wait3A_12 = tpu.memref_slice %arg2[%dma_wait3A_10, %dma_wait3A_11] : memref<6144x128xf32, #tpu.memory_space<hbm>> -> memref<6144x128xf32, #tpu.memory_space<hbm>>
    tpu.wait_indirect_dma semaphore(%arg11 : memref<!tpu.dma_semaphore, #tpu.memory_space<semaphore_mem>>) src(%dma_wait3A_12 : memref<6144x128xf32, #tpu.memory_space<hbm>>) dst(%arg8 : memref<64x128xf32, #tpu.memory_space<vmem>>)
    "tpu.region"() ({
      %run_scoped3A = tpu.sem_alloc : memref<!tpu.dma_semaphore, #tpu.memory_space<semaphore_mem>>
      %dma_start3A_13 = arith.constant 0 : i32
      %dma_start3A_14 = tpu.memref_slice %arg5[%mul3A_2, %dma_start3A_13] : memref<2048x128xf32, #tpu.memory_space<hbm>> -> memref<64x128xf32, #tpu.memory_space<hbm>>
      %dma_start3A_15 = arith.constant 0 : i32
      %dma_start3A_16 = tpu.memref_slice %arg5[%mul3A_2, %dma_start3A_15] : memref<2048x128xf32, #tpu.memory_space<hbm>> -> memref<64x128xf32, #tpu.memory_space<hbm>>
      tpu.enqueue_dma source(%arg7 : memref<64x128xf32, #tpu.memory_space<vmem>>) target(%dma_start3A_16 : memref<64x128xf32, #tpu.memory_space<hbm>>) target_semaphore(%run_scoped3A : memref<!tpu.dma_semaphore, #tpu.memory_space<semaphore_mem>>)
      %dma_wait3A_17 = arith.constant 0 : i32
      %dma_wait3A_18 = tpu.memref_slice %arg5[%mul3A_2, %dma_wait3A_17] : memref<2048x128xf32, #tpu.memory_space<hbm>> -> memref<64x128xf32, #tpu.memory_space<hbm>>
      %dma_wait3A_19 = arith.constant 0 : i32
      %dma_wait3A_20 = tpu.memref_slice %arg5[%mul3A_2, %dma_wait3A_19] : memref<2048x128xf32, #tpu.memory_space<hbm>> -> memref<64x128xf32, #tpu.memory_space<hbm>>
      tpu.wait_dma2 semaphore(%run_scoped3A : memref<!tpu.dma_semaphore, #tpu.memory_space<semaphore_mem>>) src(%arg7 : memref<64x128xf32, #tpu.memory_space<vmem>>) dst(%dma_wait3A_20 : memref<64x128xf32, #tpu.memory_space<hbm>>)
      tpu.yield
    }) : () -> ()
    "tpu.region"() ({
      %run_scoped3A = tpu.sem_alloc : memref<!tpu.dma_semaphore, #tpu.memory_space<semaphore_mem>>
      %dma_start3A_13 = arith.constant 0 : i32
      %dma_start3A_14 = tpu.memref_slice %arg6[%mul3A_2, %dma_start3A_13] : memref<2048x128xf32, #tpu.memory_space<hbm>> -> memref<64x128xf32, #tpu.memory_space<hbm>>
      %dma_start3A_15 = arith.constant 0 : i32
      %dma_start3A_16 = tpu.memref_slice %arg6[%mul3A_2, %dma_start3A_15] : memref<2048x128xf32, #tpu.memory_space<hbm>> -> memref<64x128xf32, #tpu.memory_space<hbm>>
      tpu.enqueue_dma source(%arg8 : memref<64x128xf32, #tpu.memory_space<vmem>>) target(%dma_start3A_16 : memref<64x128xf32, #tpu.memory_space<hbm>>) target_semaphore(%run_scoped3A : memref<!tpu.dma_semaphore, #tpu.memory_space<semaphore_mem>>)
      %dma_wait3A_17 = arith.constant 0 : i32
      %dma_wait3A_18 = tpu.memref_slice %arg6[%mul3A_2, %dma_wait3A_17] : memref<2048x128xf32, #tpu.memory_space<hbm>> -> memref<64x128xf32, #tpu.memory_space<hbm>>
      %dma_wait3A_19 = arith.constant 0 : i32
      %dma_wait3A_20 = tpu.memref_slice %arg6[%mul3A_2, %dma_wait3A_19] : memref<2048x128xf32, #tpu.memory_space<hbm>> -> memref<64x128xf32, #tpu.memory_space<hbm>>
      tpu.wait_dma2 semaphore(%run_scoped3A : memref<!tpu.dma_semaphore, #tpu.memory_space<semaphore_mem>>) src(%arg8 : memref<64x128xf32, #tpu.memory_space<vmem>>) dst(%dma_wait3A_20 : memref<64x128xf32, #tpu.memory_space<hbm>>)
      tpu.yield
    }) : () -> ()
    return
  }
}

#map = affine_map<(d0, d1) -> (0, 0)>
module attributes {stable_mosaic.version = 14 : i64} {
  func.func @_pack_body(%arg0: i32, %arg1: i32, %arg2: memref<2048x1024xf32, #tpu.memory_space<hbm>>, %arg3: memref<32x64xi32, #tpu.memory_space<hbm>>, %arg4: memref<32x64xi32, #tpu.memory_space<hbm>>, %arg5: memref<6144x1024xf32, #tpu.memory_space<hbm>>, %arg6: memref<64x1024xf32, #tpu.memory_space<vmem>>, %arg7: memref<64xi32, #tpu.memory_space<vmem>>, %arg8: memref<64xi32, #tpu.memory_space<vmem>>, %arg9: memref<!tpu.dma_semaphore, #tpu.memory_space<semaphore_mem>>) attributes {dimension_semantics = [#tpu.dimension_semantics<core_parallel>, #tpu.dimension_semantics<subcore_parallel>], iteration_bounds = array<i64: 2, 16>, scalar_prefetch = 0 : i64, scratch_operands = 4 : i64, tpu.core_type = #tpu.core_type<sc_vector_subcore>, window_params = [{transform_indices = #map}, {transform_indices = #map}, {transform_indices = #map}, {transform_indices = #map}]} {
    %mul3A = arith.constant 2 : i32
    %mul3A_0 = arith.muli %arg1, %mul3A : i32
    %add3A = arith.addi %mul3A_0, %arg0 : i32
    %mul3A_1 = arith.constant 64 : i32
    %mul3A_2 = arith.muli %add3A, %mul3A_1 : i32
    "tpu.region"() ({
      %run_scoped3A = tpu.sem_alloc : memref<!tpu.dma_semaphore, #tpu.memory_space<semaphore_mem>>
      %dma_start3A_13 = arith.constant 0 : i32
      %dma_start3A_14 = tpu.memref_slice %arg2[%mul3A_2, %dma_start3A_13] : memref<2048x1024xf32, #tpu.memory_space<hbm>> -> memref<64x1024xf32, #tpu.memory_space<hbm>>
      %dma_start3A_15 = arith.constant 0 : i32
      %dma_start3A_16 = tpu.memref_slice %arg2[%mul3A_2, %dma_start3A_15] : memref<2048x1024xf32, #tpu.memory_space<hbm>> -> memref<64x1024xf32, #tpu.memory_space<hbm>>
      tpu.enqueue_dma source(%dma_start3A_16 : memref<64x1024xf32, #tpu.memory_space<hbm>>) target(%arg6 : memref<64x1024xf32, #tpu.memory_space<vmem>>) target_semaphore(%run_scoped3A : memref<!tpu.dma_semaphore, #tpu.memory_space<semaphore_mem>>)
      %dma_wait3A_17 = arith.constant 0 : i32
      %dma_wait3A_18 = tpu.memref_slice %arg2[%mul3A_2, %dma_wait3A_17] : memref<2048x1024xf32, #tpu.memory_space<hbm>> -> memref<64x1024xf32, #tpu.memory_space<hbm>>
      %dma_wait3A_19 = arith.constant 0 : i32
      %dma_wait3A_20 = tpu.memref_slice %arg2[%mul3A_2, %dma_wait3A_19] : memref<2048x1024xf32, #tpu.memory_space<hbm>> -> memref<64x1024xf32, #tpu.memory_space<hbm>>
      tpu.wait_dma2 semaphore(%run_scoped3A : memref<!tpu.dma_semaphore, #tpu.memory_space<semaphore_mem>>) src(%dma_wait3A_20 : memref<64x1024xf32, #tpu.memory_space<hbm>>) dst(%arg6 : memref<64x1024xf32, #tpu.memory_space<vmem>>)
      tpu.yield
    }) : () -> ()
    "tpu.region"() ({
      %run_scoped3A = tpu.sem_alloc : memref<!tpu.dma_semaphore, #tpu.memory_space<semaphore_mem>>
      %dma_start3A_13 = arith.constant 0 : i32
      %dma_start3A_14 = tpu.memref_slice %arg3[%add3A, %dma_start3A_13] : memref<32x64xi32, #tpu.memory_space<hbm>> -> memref<1x64xi32, #tpu.memory_space<hbm>>
      %dma_start3A_15 = tpu.memref_squeeze %dma_start3A_14 : memref<1x64xi32, #tpu.memory_space<hbm>> -> memref<64xi32, #tpu.memory_space<hbm>>
      %dma_start3A_16 = arith.constant 0 : i32
      %dma_start3A_17 = tpu.memref_slice %arg3[%add3A, %dma_start3A_16] : memref<32x64xi32, #tpu.memory_space<hbm>> -> memref<1x64xi32, #tpu.memory_space<hbm>>
      %dma_start3A_18 = tpu.memref_squeeze %dma_start3A_17 : memref<1x64xi32, #tpu.memory_space<hbm>> -> memref<64xi32, #tpu.memory_space<hbm>>
      tpu.enqueue_dma source(%dma_start3A_18 : memref<64xi32, #tpu.memory_space<hbm>>) target(%arg7 : memref<64xi32, #tpu.memory_space<vmem>>) target_semaphore(%run_scoped3A : memref<!tpu.dma_semaphore, #tpu.memory_space<semaphore_mem>>)
      %dma_wait3A_19 = arith.constant 0 : i32
      %dma_wait3A_20 = tpu.memref_slice %arg3[%add3A, %dma_wait3A_19] : memref<32x64xi32, #tpu.memory_space<hbm>> -> memref<1x64xi32, #tpu.memory_space<hbm>>
      %dma_wait3A_21 = tpu.memref_squeeze %dma_wait3A_20 : memref<1x64xi32, #tpu.memory_space<hbm>> -> memref<64xi32, #tpu.memory_space<hbm>>
      %dma_wait3A_22 = arith.constant 0 : i32
      %dma_wait3A_23 = tpu.memref_slice %arg3[%add3A, %dma_wait3A_22] : memref<32x64xi32, #tpu.memory_space<hbm>> -> memref<1x64xi32, #tpu.memory_space<hbm>>
      %dma_wait3A_24 = tpu.memref_squeeze %dma_wait3A_23 : memref<1x64xi32, #tpu.memory_space<hbm>> -> memref<64xi32, #tpu.memory_space<hbm>>
      tpu.wait_dma2 semaphore(%run_scoped3A : memref<!tpu.dma_semaphore, #tpu.memory_space<semaphore_mem>>) src(%dma_wait3A_24 : memref<64xi32, #tpu.memory_space<hbm>>) dst(%arg7 : memref<64xi32, #tpu.memory_space<vmem>>)
      tpu.yield
    }) : () -> ()
    "tpu.region"() ({
      %run_scoped3A = tpu.sem_alloc : memref<!tpu.dma_semaphore, #tpu.memory_space<semaphore_mem>>
      %dma_start3A_13 = arith.constant 0 : i32
      %dma_start3A_14 = tpu.memref_slice %arg4[%add3A, %dma_start3A_13] : memref<32x64xi32, #tpu.memory_space<hbm>> -> memref<1x64xi32, #tpu.memory_space<hbm>>
      %dma_start3A_15 = tpu.memref_squeeze %dma_start3A_14 : memref<1x64xi32, #tpu.memory_space<hbm>> -> memref<64xi32, #tpu.memory_space<hbm>>
      %dma_start3A_16 = arith.constant 0 : i32
      %dma_start3A_17 = tpu.memref_slice %arg4[%add3A, %dma_start3A_16] : memref<32x64xi32, #tpu.memory_space<hbm>> -> memref<1x64xi32, #tpu.memory_space<hbm>>
      %dma_start3A_18 = tpu.memref_squeeze %dma_start3A_17 : memref<1x64xi32, #tpu.memory_space<hbm>> -> memref<64xi32, #tpu.memory_space<hbm>>
      tpu.enqueue_dma source(%dma_start3A_18 : memref<64xi32, #tpu.memory_space<hbm>>) target(%arg8 : memref<64xi32, #tpu.memory_space<vmem>>) target_semaphore(%run_scoped3A : memref<!tpu.dma_semaphore, #tpu.memory_space<semaphore_mem>>)
      %dma_wait3A_19 = arith.constant 0 : i32
      %dma_wait3A_20 = tpu.memref_slice %arg4[%add3A, %dma_wait3A_19] : memref<32x64xi32, #tpu.memory_space<hbm>> -> memref<1x64xi32, #tpu.memory_space<hbm>>
      %dma_wait3A_21 = tpu.memref_squeeze %dma_wait3A_20 : memref<1x64xi32, #tpu.memory_space<hbm>> -> memref<64xi32, #tpu.memory_space<hbm>>
      %dma_wait3A_22 = arith.constant 0 : i32
      %dma_wait3A_23 = tpu.memref_slice %arg4[%add3A, %dma_wait3A_22] : memref<32x64xi32, #tpu.memory_space<hbm>> -> memref<1x64xi32, #tpu.memory_space<hbm>>
      %dma_wait3A_24 = tpu.memref_squeeze %dma_wait3A_23 : memref<1x64xi32, #tpu.memory_space<hbm>> -> memref<64xi32, #tpu.memory_space<hbm>>
      tpu.wait_dma2 semaphore(%run_scoped3A : memref<!tpu.dma_semaphore, #tpu.memory_space<semaphore_mem>>) src(%dma_wait3A_24 : memref<64xi32, #tpu.memory_space<hbm>>) dst(%arg8 : memref<64xi32, #tpu.memory_space<vmem>>)
      tpu.yield
    }) : () -> ()
    %dma_start3A = arith.constant 0 : i32
    %dma_start3A_3 = arith.constant 0 : i32
    %dma_start3A_4 = tpu.memref_slice %arg5[%dma_start3A, %dma_start3A_3] : memref<6144x1024xf32, #tpu.memory_space<hbm>> -> memref<6144x1024xf32, #tpu.memory_space<hbm>>
    tpu.enqueue_indirect_dma source(%arg6 : memref<64x1024xf32, #tpu.memory_space<vmem>>) target(%dma_start3A_4 : memref<6144x1024xf32, #tpu.memory_space<hbm>>) offsets(%arg7 : memref<64xi32, #tpu.memory_space<vmem>>) semaphore(%arg9 : memref<!tpu.dma_semaphore, #tpu.memory_space<semaphore_mem>>)
    %dma_start3A_5 = arith.constant 0 : i32
    %dma_start3A_6 = arith.constant 0 : i32
    %dma_start3A_7 = tpu.memref_slice %arg5[%dma_start3A_5, %dma_start3A_6] : memref<6144x1024xf32, #tpu.memory_space<hbm>> -> memref<6144x1024xf32, #tpu.memory_space<hbm>>
    tpu.enqueue_indirect_dma source(%arg6 : memref<64x1024xf32, #tpu.memory_space<vmem>>) target(%dma_start3A_7 : memref<6144x1024xf32, #tpu.memory_space<hbm>>) offsets(%arg8 : memref<64xi32, #tpu.memory_space<vmem>>) semaphore(%arg9 : memref<!tpu.dma_semaphore, #tpu.memory_space<semaphore_mem>>)
    %dma_wait3A = arith.constant 0 : i32
    %dma_wait3A_8 = arith.constant 0 : i32
    %dma_wait3A_9 = tpu.memref_slice %arg5[%dma_wait3A, %dma_wait3A_8] : memref<6144x1024xf32, #tpu.memory_space<hbm>> -> memref<6144x1024xf32, #tpu.memory_space<hbm>>
    tpu.wait_indirect_dma semaphore(%arg9 : memref<!tpu.dma_semaphore, #tpu.memory_space<semaphore_mem>>) src(%arg6 : memref<64x1024xf32, #tpu.memory_space<vmem>>) dst(%dma_wait3A_9 : memref<6144x1024xf32, #tpu.memory_space<hbm>>)
    %dma_wait3A_10 = arith.constant 0 : i32
    %dma_wait3A_11 = arith.constant 0 : i32
    %dma_wait3A_12 = tpu.memref_slice %arg5[%dma_wait3A_10, %dma_wait3A_11] : memref<6144x1024xf32, #tpu.memory_space<hbm>> -> memref<6144x1024xf32, #tpu.memory_space<hbm>>
    tpu.wait_indirect_dma semaphore(%arg9 : memref<!tpu.dma_semaphore, #tpu.memory_space<semaphore_mem>>) src(%arg6 : memref<64x1024xf32, #tpu.memory_space<vmem>>) dst(%dma_wait3A_12 : memref<6144x1024xf32, #tpu.memory_space<hbm>>)
    return
  }
}

module attributes {stable_mosaic.version = 14 : i64} {
  func.func @_router_body(%arg0: memref<2048x1024xf32, #tpu.memory_space<vmem>>, %arg1: memref<1024x8xf32, #tpu.memory_space<vmem>>, %arg2: memref<2048x2xi32, #tpu.memory_space<vmem>>, %arg3: memref<2048x2xf32, #tpu.memory_space<vmem>>, %arg4: memref<4x32xi32, #tpu.memory_space<vmem>>, %arg5: memref<1x128xf32, #tpu.memory_space<vmem>>, %arg6: memref<2048x8xf32, #tpu.memory_space<vmem>>, %arg7: memref<2048x8xf32, #tpu.memory_space<vmem>>) attributes {dimension_semantics = [], scalar_prefetch = 0 : i64, scratch_operands = 0 : i64, tpu.core_type = #tpu.core_type<tc>} {
    %get3A = arith.constant 0 : index
    %get3A_0 = arith.constant 0 : index
    %get3A_1 = vector.load %arg0[%get3A, %get3A_0] : memref<2048x1024xf32, #tpu.memory_space<vmem>>, vector<2048x1024xf32>
    %get3A_2 = arith.constant 0 : index
    %get3A_3 = arith.constant 0 : index
    %get3A_4 = vector.load %arg1[%get3A_2, %get3A_3] : memref<1024x8xf32, #tpu.memory_space<vmem>>, vector<1024x8xf32>
    %dot_general3A = arith.constant dense<0.000000e+00> : vector<2048x8xf32>
    %dot_general3A_5 = tpu.matmul %get3A_1, %get3A_4, %dot_general3A {dimension_numbers = #tpu.dot_dimension_numbers<[1], [0], [0], [1], [0, 0, 1, 1], [], []>, transpose_lhs_hint = false} : vector<2048x1024xf32>, vector<1024x8xf32>, vector<2048x8xf32> -> vector<2048x8xf32>
    %reduce_max3A = arith.constant dense<0xFF800000> : vector<2048xf32>
    %reduce_max3A_6 = vector.multi_reduction <maximumf>, %dot_general3A_5, %reduce_max3A [1] : vector<2048x8xf32> to vector<2048xf32>
    %broadcast_in_dim3A = vector.shape_cast %reduce_max3A_6 : vector<2048xf32> to vector<2048x1xf32>
    %sub3A = vector.broadcast %broadcast_in_dim3A : vector<2048x1xf32> to vector<2048x8xf32>
    %sub3A_7 = arith.subf %dot_general3A_5, %sub3A : vector<2048x8xf32>
    %exp3A = math.exp %sub3A_7 : vector<2048x8xf32>
    %reduce_sum3A = arith.constant dense<0.000000e+00> : vector<2048xf32>
    %reduce_sum3A_8 = vector.multi_reduction <add>, %exp3A, %reduce_sum3A [1] : vector<2048x8xf32> to vector<2048xf32>
    %broadcast_in_dim3A_9 = vector.shape_cast %reduce_sum3A_8 : vector<2048xf32> to vector<2048x1xf32>
    %div3A = vector.broadcast %broadcast_in_dim3A_9 : vector<2048x1xf32> to vector<2048x8xf32>
    %div3A_10 = arith.divf %exp3A, %div3A : vector<2048x8xf32>
    %iota3A = tpu.iota {dimensions = array<i32: 1>} : vector<2048x8xi32>
    %reduce_max3A_11 = arith.constant dense<0xFF800000> : vector<2048xf32>
    %reduce_max3A_12 = vector.multi_reduction <maximumf>, %div3A_10, %reduce_max3A_11 [1] : vector<2048x8xf32> to vector<2048xf32>
    %broadcast_in_dim3A_13 = vector.shape_cast %reduce_max3A_12 : vector<2048xf32> to vector<2048x1xf32>
    %eq3A = vector.broadcast %broadcast_in_dim3A_13 : vector<2048x1xf32> to vector<2048x8xf32>
    %eq3A_14 = arith.cmpf oeq, %div3A_10, %eq3A : vector<2048x8xf32>
    %jit3A = arith.constant 8 : i32
    %broadcast_in_dim3A_15 = vector.broadcast %jit3A : i32 to vector<2048x8xi32>
    %select_n3A = arith.select %eq3A_14, %iota3A, %broadcast_in_dim3A_15 : vector<2048x8xi1>, vector<2048x8xi32>
    %reduce_min3A = arith.constant dense<2147483647> : vector<2048xi32>
    %reduce_min3A_16 = vector.multi_reduction <minsi>, %select_n3A, %reduce_min3A [1] : vector<2048x8xi32> to vector<2048xi32>
    %broadcast_in_dim3A_17 = vector.shape_cast %reduce_min3A_16 : vector<2048xi32> to vector<2048x1xi32>
    %eq3A_18 = vector.broadcast %broadcast_in_dim3A_17 : vector<2048x1xi32> to vector<2048x8xi32>
    %eq3A_19 = arith.cmpi eq, %iota3A, %eq3A_18 : vector<2048x8xi32>
    %jit3A_20 = arith.constant -1.000000e+00 : f32
    %broadcast_in_dim3A_21 = vector.broadcast %jit3A_20 : f32 to vector<2048x8xf32>
    %select_n3A_22 = arith.select %eq3A_19, %broadcast_in_dim3A_21, %div3A_10 : vector<2048x8xi1>, vector<2048x8xf32>
    %reduce_max3A_23 = arith.constant dense<0xFF800000> : vector<2048xf32>
    %reduce_max3A_24 = vector.multi_reduction <maximumf>, %select_n3A_22, %reduce_max3A_23 [1] : vector<2048x8xf32> to vector<2048xf32>
    %broadcast_in_dim3A_25 = vector.shape_cast %reduce_max3A_24 : vector<2048xf32> to vector<2048x1xf32>
    %eq3A_26 = vector.broadcast %broadcast_in_dim3A_25 : vector<2048x1xf32> to vector<2048x8xf32>
    %eq3A_27 = arith.cmpf oeq, %select_n3A_22, %eq3A_26 : vector<2048x8xf32>
    %jit3A_28 = arith.constant 8 : i32
    %broadcast_in_dim3A_29 = vector.broadcast %jit3A_28 : i32 to vector<2048x8xi32>
    %select_n3A_30 = arith.select %eq3A_27, %iota3A, %broadcast_in_dim3A_29 : vector<2048x8xi1>, vector<2048x8xi32>
    %reduce_min3A_31 = arith.constant dense<2147483647> : vector<2048xi32>
    %reduce_min3A_32 = vector.multi_reduction <minsi>, %select_n3A_30, %reduce_min3A_31 [1] : vector<2048x8xi32> to vector<2048xi32>
    %broadcast_in_dim3A_33 = vector.shape_cast %reduce_min3A_32 : vector<2048xi32> to vector<2048x1xi32>
    %eq3A_34 = vector.broadcast %broadcast_in_dim3A_33 : vector<2048x1xi32> to vector<2048x8xi32>
    %eq3A_35 = arith.cmpi eq, %iota3A, %eq3A_34 : vector<2048x8xi32>
    %add3A = arith.addf %broadcast_in_dim3A_13, %broadcast_in_dim3A_25 : vector<2048x1xf32>
    %div3A_36 = arith.divf %broadcast_in_dim3A_13, %add3A : vector<2048x1xf32>
    %div3A_37 = arith.divf %broadcast_in_dim3A_25, %add3A : vector<2048x1xf32>
    %concatenate3A = tpu.concatenate %div3A_36, %div3A_37 in 1 : vector<2048x1xf32>, vector<2048x1xf32> -> vector<2048x2xf32>
    %swap3A = arith.constant 0 : index
    %swap3A_38 = arith.constant 0 : index
    %swap3A_39 = vector.load %arg3[%swap3A, %swap3A_38] : memref<2048x2xf32, #tpu.memory_space<vmem>>, vector<2048x2xf32>
    tpu.vector_store %arg3[%swap3A, %swap3A_38], %concatenate3A {strides = array<i32>} : memref<2048x2xf32, #tpu.memory_space<vmem>>, vector<2048x2xf32>,
    %or3A = arith.ori %eq3A_19, %eq3A_35 : vector<2048x8xi1>
    %convert_element_type3A = arith.extui %or3A : vector<2048x8xi1> to vector<2048x8xi32>
    %convert_element_type3A_40 = arith.sitofp %convert_element_type3A : vector<2048x8xi32> to vector<2048x8xf32>
    %convert_element_type3A_41 = arith.extui %eq3A_19 : vector<2048x8xi1> to vector<2048x8xi32>
    %convert_element_type3A_42 = arith.sitofp %convert_element_type3A_41 : vector<2048x8xi32> to vector<2048x8xf32>
    %swap3A_43 = arith.constant 0 : index
    %swap3A_44 = arith.constant 0 : index
    %swap3A_45 = vector.load %arg6[%swap3A_43, %swap3A_44] : memref<2048x8xf32, #tpu.memory_space<vmem>>, vector<2048x8xf32>
    tpu.vector_store %arg6[%swap3A_43, %swap3A_44], %convert_element_type3A_42 {strides = array<i32>} : memref<2048x8xf32, #tpu.memory_space<vmem>>, vector<2048x8xf32>,
    %convert_element_type3A_46 = arith.extui %eq3A_35 : vector<2048x8xi1> to vector<2048x8xi32>
    %convert_element_type3A_47 = arith.sitofp %convert_element_type3A_46 : vector<2048x8xi32> to vector<2048x8xf32>
    %swap3A_48 = arith.constant 0 : index
    %swap3A_49 = arith.constant 0 : index
    %swap3A_50 = vector.load %arg7[%swap3A_48, %swap3A_49] : memref<2048x8xf32, #tpu.memory_space<vmem>>, vector<2048x8xf32>
    tpu.vector_store %arg7[%swap3A_48, %swap3A_49], %convert_element_type3A_47 {strides = array<i32>} : memref<2048x8xf32, #tpu.memory_space<vmem>>, vector<2048x8xf32>,
    %reduce_sum3A_51 = arith.constant dense<0.000000e+00> : vector<8xf32>
    %reduce_sum3A_52 = vector.multi_reduction <add>, %convert_element_type3A_40, %reduce_sum3A_51 [0] : vector<2048x8xf32> to vector<8xf32>
    %div3A_53 = arith.constant 4.096000e+03 : f32
    %div3A_54 = vector.broadcast %div3A_53 : f32 to vector<8xf32>
    %div3A_55 = arith.divf %reduce_sum3A_52, %div3A_54 : vector<8xf32>
    %reduce_sum3A_56 = arith.constant dense<0.000000e+00> : vector<8xf32>
    %reduce_sum3A_57 = vector.multi_reduction <add>, %div3A_10, %reduce_sum3A_56 [0] : vector<2048x8xf32> to vector<8xf32>
    %div3A_58 = arith.constant 2.048000e+03 : f32
    %div3A_59 = vector.broadcast %div3A_58 : f32 to vector<8xf32>
    %div3A_60 = arith.divf %reduce_sum3A_57, %div3A_59 : vector<8xf32>
    %mul3A = arith.mulf %div3A_55, %div3A_60 : vector<8xf32>
    %reduce_sum3A_61 = vector.shape_cast %mul3A : vector<8xf32> to vector<1x8xf32>
    %reduce_sum3A_62 = arith.constant dense<0.000000e+00> : vector<1xf32>
    %reduce_sum3A_63 = vector.multi_reduction <add>, %reduce_sum3A_61, %reduce_sum3A_62 [1] : vector<1x8xf32> to vector<1xf32>
    %reduce_sum3A_64 = vector.shape_cast %reduce_sum3A_63 : vector<1xf32> to vector<1x1xf32>
    %reduce_sum3A_65 = vector.extract %reduce_sum3A_64[0, 0] : f32 from vector<1x1xf32>
    %mul3A_66 = arith.constant 8.000000e+00 : f32
    %mul3A_67 = arith.mulf %mul3A_66, %reduce_sum3A_65 : f32
    %reduce_max3A_68 = vector.shape_cast %div3A_55 : vector<8xf32> to vector<1x8xf32>
    %reduce_max3A_69 = arith.constant dense<0xFF800000> : vector<1xf32>
    %reduce_max3A_70 = vector.multi_reduction <maximumf>, %reduce_max3A_68, %reduce_max3A_69 [1] : vector<1x8xf32> to vector<1xf32>
    %reduce_max3A_71 = vector.shape_cast %reduce_max3A_70 : vector<1xf32> to vector<1x1xf32>
    %reduce_max3A_72 = vector.extract %reduce_max3A_71[0, 0] : f32 from vector<1x1xf32>
    %mul3A_73 = arith.constant 8.000000e+00 : f32
    %mul3A_74 = arith.mulf %reduce_max3A_72, %mul3A_73 : f32
    %sub3A_75 = arith.constant 1.000000e+00 : f32
    %sub3A_76 = arith.subf %mul3A_74, %sub3A_75 : f32
    %iota3A_77 = tpu.iota {dimensions = array<i32: 1>} : vector<1x128xi32>
    %eq3A_78 = arith.constant 0 : i32
    %eq3A_79 = vector.broadcast %eq3A_78 : i32 to vector<1x128xi32>
    %eq3A_80 = arith.cmpi eq, %iota3A_77, %eq3A_79 : vector<1x128xi32>
    %eq3A_81 = arith.constant 1 : i32
    %eq3A_82 = vector.broadcast %eq3A_81 : i32 to vector<1x128xi32>
    %eq3A_83 = arith.cmpi eq, %iota3A_77, %eq3A_82 : vector<1x128xi32>
    %jit3A_84 = arith.constant 0.000000e+00 : f32
    %broadcast_in_dim3A_85 = vector.broadcast %sub3A_76 : f32 to vector<1x128xf32>
    %broadcast_in_dim3A_86 = vector.broadcast %jit3A_84 : f32 to vector<1x128xf32>
    %select_n3A_87 = arith.select %eq3A_83, %broadcast_in_dim3A_85, %broadcast_in_dim3A_86 : vector<1x128xi1>, vector<1x128xf32>
    %broadcast_in_dim3A_88 = vector.broadcast %mul3A_67 : f32 to vector<1x128xf32>
    %select_n3A_89 = arith.select %eq3A_80, %broadcast_in_dim3A_88, %select_n3A_87 : vector<1x128xi1>, vector<1x128xf32>
    %swap3A_90 = arith.constant 0 : index
    %swap3A_91 = arith.constant 0 : index
    %swap3A_92 = vector.load %arg5[%swap3A_90, %swap3A_91] : memref<1x128xf32, #tpu.memory_space<vmem>>, vector<1x128xf32>
    tpu.vector_store %arg5[%swap3A_90, %swap3A_91], %select_n3A_89 {strides = array<i32>} : memref<1x128xf32, #tpu.memory_space<vmem>>, vector<1x128xf32>,
    %broadcast_in_dim3A_93 = arith.constant 0.000000e+00 : f32
    %broadcast_in_dim3A_94 = vector.broadcast %broadcast_in_dim3A_93 : f32 to vector<1x8xf32>
    %slice3A = vector.extract_strided_slice %convert_element_type3A_40 {offsets = [0, 0], sizes = [2047, 8], strides = [1, 1]} : vector<2048x8xf32> to vector<2047x8xf32>
    %concatenate3A_95 = tpu.concatenate %broadcast_in_dim3A_94, %slice3A in 0 : vector<1x8xf32>, vector<2047x8xf32> -> vector<2048x8xf32>
    %add3A_96 = arith.addf %convert_element_type3A_40, %concatenate3A_95 : vector<2048x8xf32>
    %broadcast_in_dim3A_97 = arith.constant 0.000000e+00 : f32
    %broadcast_in_dim3A_98 = vector.broadcast %broadcast_in_dim3A_97 : f32 to vector<2x8xf32>
    %slice3A_99 = vector.extract_strided_slice %add3A_96 {offsets = [0, 0], sizes = [2046, 8], strides = [1, 1]} : vector<2048x8xf32> to vector<2046x8xf32>
    %concatenate3A_100 = tpu.concatenate %broadcast_in_dim3A_98, %slice3A_99 in 0 : vector<2x8xf32>, vector<2046x8xf32> -> vector<2048x8xf32>
    %add3A_101 = arith.addf %add3A_96, %concatenate3A_100 : vector<2048x8xf32>
    %broadcast_in_dim3A_102 = arith.constant 0.000000e+00 : f32
    %broadcast_in_dim3A_103 = vector.broadcast %broadcast_in_dim3A_102 : f32 to vector<4x8xf32>
    %slice3A_104 = vector.extract_strided_slice %add3A_101 {offsets = [0, 0], sizes = [2044, 8], strides = [1, 1]} : vector<2048x8xf32> to vector<2044x8xf32>
    %concatenate3A_105 = tpu.concatenate %broadcast_in_dim3A_103, %slice3A_104 in 0 : vector<4x8xf32>, vector<2044x8xf32> -> vector<2048x8xf32>
    %add3A_106 = arith.addf %add3A_101, %concatenate3A_105 : vector<2048x8xf32>
    %broadcast_in_dim3A_107 = arith.constant 0.000000e+00 : f32
    %broadcast_in_dim3A_108 = vector.broadcast %broadcast_in_dim3A_107 : f32 to vector<8x8xf32>
    %slice3A_109 = vector.extract_strided_slice %add3A_106 {offsets = [0, 0], sizes = [2040, 8], strides = [1, 1]} : vector<2048x8xf32> to vector<2040x8xf32>
    %concatenate3A_110 = tpu.concatenate %broadcast_in_dim3A_108, %slice3A_109 in 0 : vector<8x8xf32>, vector<2040x8xf32> -> vector<2048x8xf32>
    %add3A_111 = arith.addf %add3A_106, %concatenate3A_110 : vector<2048x8xf32>
    %broadcast_in_dim3A_112 = arith.constant 0.000000e+00 : f32
    %broadcast_in_dim3A_113 = vector.broadcast %broadcast_in_dim3A_112 : f32 to vector<16x8xf32>
    %slice3A_114 = vector.extract_strided_slice %add3A_111 {offsets = [0, 0], sizes = [2032, 8], strides = [1, 1]} : vector<2048x8xf32> to vector<2032x8xf32>
    %concatenate3A_115 = tpu.concatenate %broadcast_in_dim3A_113, %slice3A_114 in 0 : vector<16x8xf32>, vector<2032x8xf32> -> vector<2048x8xf32>
    %add3A_116 = arith.addf %add3A_111, %concatenate3A_115 : vector<2048x8xf32>
    %broadcast_in_dim3A_117 = arith.constant 0.000000e+00 : f32
    %broadcast_in_dim3A_118 = vector.broadcast %broadcast_in_dim3A_117 : f32 to vector<32x8xf32>
    %slice3A_119 = vector.extract_strided_slice %add3A_116 {offsets = [0, 0], sizes = [2016, 8], strides = [1, 1]} : vector<2048x8xf32> to vector<2016x8xf32>
    %concatenate3A_120 = tpu.concatenate %broadcast_in_dim3A_118, %slice3A_119 in 0 : vector<32x8xf32>, vector<2016x8xf32> -> vector<2048x8xf32>
    %add3A_121 = arith.addf %add3A_116, %concatenate3A_120 : vector<2048x8xf32>
    %broadcast_in_dim3A_122 = arith.constant 0.000000e+00 : f32
    %broadcast_in_dim3A_123 = vector.broadcast %broadcast_in_dim3A_122 : f32 to vector<64x8xf32>
    %slice3A_124 = vector.extract_strided_slice %add3A_121 {offsets = [0, 0], sizes = [1984, 8], strides = [1, 1]} : vector<2048x8xf32> to vector<1984x8xf32>
    %concatenate3A_125 = tpu.concatenate %broadcast_in_dim3A_123, %slice3A_124 in 0 : vector<64x8xf32>, vector<1984x8xf32> -> vector<2048x8xf32>
    %add3A_126 = arith.addf %add3A_121, %concatenate3A_125 : vector<2048x8xf32>
    %broadcast_in_dim3A_127 = arith.constant 0.000000e+00 : f32
    %broadcast_in_dim3A_128 = vector.broadcast %broadcast_in_dim3A_127 : f32 to vector<128x8xf32>
    %slice3A_129 = vector.extract_strided_slice %add3A_126 {offsets = [0, 0], sizes = [1920, 8], strides = [1, 1]} : vector<2048x8xf32> to vector<1920x8xf32>
    %concatenate3A_130 = tpu.concatenate %broadcast_in_dim3A_128, %slice3A_129 in 0 : vector<128x8xf32>, vector<1920x8xf32> -> vector<2048x8xf32>
    %add3A_131 = arith.addf %add3A_126, %concatenate3A_130 : vector<2048x8xf32>
    %broadcast_in_dim3A_132 = arith.constant 0.000000e+00 : f32
    %broadcast_in_dim3A_133 = vector.broadcast %broadcast_in_dim3A_132 : f32 to vector<256x8xf32>
    %slice3A_134 = vector.extract_strided_slice %add3A_131 {offsets = [0, 0], sizes = [1792, 8], strides = [1, 1]} : vector<2048x8xf32> to vector<1792x8xf32>
    %concatenate3A_135 = tpu.concatenate %broadcast_in_dim3A_133, %slice3A_134 in 0 : vector<256x8xf32>, vector<1792x8xf32> -> vector<2048x8xf32>
    %add3A_136 = arith.addf %add3A_131, %concatenate3A_135 : vector<2048x8xf32>
    %broadcast_in_dim3A_137 = arith.constant 0.000000e+00 : f32
    %broadcast_in_dim3A_138 = vector.broadcast %broadcast_in_dim3A_137 : f32 to vector<512x8xf32>
    %slice3A_139 = vector.extract_strided_slice %add3A_136 {offsets = [0, 0], sizes = [1536, 8], strides = [1, 1]} : vector<2048x8xf32> to vector<1536x8xf32>
    %concatenate3A_140 = tpu.concatenate %broadcast_in_dim3A_138, %slice3A_139 in 0 : vector<512x8xf32>, vector<1536x8xf32> -> vector<2048x8xf32>
    %add3A_141 = arith.addf %add3A_136, %concatenate3A_140 : vector<2048x8xf32>
    %broadcast_in_dim3A_142 = arith.constant 0.000000e+00 : f32
    %broadcast_in_dim3A_143 = vector.broadcast %broadcast_in_dim3A_142 : f32 to vector<1024x8xf32>
    %slice3A_144 = vector.extract_strided_slice %add3A_141 {offsets = [0, 0], sizes = [1024, 8], strides = [1, 1]} : vector<2048x8xf32> to vector<1024x8xf32>
    %concatenate3A_145 = tpu.concatenate %broadcast_in_dim3A_143, %slice3A_144 in 0 : vector<1024x8xf32>, vector<1024x8xf32> -> vector<2048x8xf32>
    %add3A_146 = arith.addf %add3A_141, %concatenate3A_145 : vector<2048x8xf32>
    %sub3A_147 = arith.subf %add3A_146, %convert_element_type3A_40 : vector<2048x8xf32>
    %slice3A_148 = vector.extract_strided_slice %add3A_146 {offsets = [2047, 0], sizes = [1, 8], strides = [1, 1]} : vector<2048x8xf32> to vector<1x8xf32>
    %transpose3A = tpu.transpose %slice3A_148, [1, 0] : vector<1x8xf32> -> vector<8x1xf32>
    %div3A_149 = arith.constant 2.560000e+02 : f32
    %div3A_150 = vector.broadcast %div3A_149 : f32 to vector<8x1xf32>
    %div3A_151 = arith.divf %transpose3A, %div3A_150 : vector<8x1xf32>
    %ceil3A = math.ceil %div3A_151 : vector<8x1xf32>
    %mul3A_152 = arith.constant 2.560000e+02 : f32
    %mul3A_153 = vector.broadcast %mul3A_152 : f32 to vector<8x1xf32>
    %mul3A_154 = arith.mulf %ceil3A, %mul3A_153 : vector<8x1xf32>
    %div3A_155 = arith.constant 2.560000e+02 : f32
    %div3A_156 = vector.broadcast %div3A_155 : f32 to vector<8x1xf32>
    %div3A_157 = arith.divf %mul3A_154, %div3A_156 : vector<8x1xf32>
    %iota3A_158 = tpu.iota {dimensions = array<i32: 0>} : vector<8x8xi32>
    %convert_element_type3A_159 = arith.sitofp %iota3A_158 : vector<8x8xi32> to vector<8x8xf32>
    %iota3A_160 = tpu.iota {dimensions = array<i32: 1>} : vector<8x8xi32>
    %convert_element_type3A_161 = arith.sitofp %iota3A_160 : vector<8x8xi32> to vector<8x8xf32>
    %lt3A = arith.cmpf olt, %convert_element_type3A_161, %convert_element_type3A_159 : vector<8x8xf32>
    %convert_element_type3A_162 = arith.extui %lt3A : vector<8x8xi1> to vector<8x8xi32>
    %convert_element_type3A_163 = arith.sitofp %convert_element_type3A_162 : vector<8x8xi32> to vector<8x8xf32>
    %dot_general3A_164 = arith.constant dense<0.000000e+00> : vector<8x1xf32>
    %dot_general3A_165 = tpu.matmul %convert_element_type3A_163, %mul3A_154, %dot_general3A_164 {dimension_numbers = #tpu.dot_dimension_numbers<[1], [0], [0], [1], [0, 0, 1, 1], [], []>, transpose_lhs_hint = false} : vector<8x8xf32>, vector<8x1xf32>, vector<8x1xf32> -> vector<8x1xf32>
    %div3A_166 = arith.constant 2.560000e+02 : f32
    %div3A_167 = vector.broadcast %div3A_166 : f32 to vector<8x1xf32>
    %div3A_168 = arith.divf %dot_general3A_165, %div3A_167 : vector<8x1xf32>
    %transpose3A_169 = tpu.transpose %dot_general3A_165, [1, 0] : vector<8x1xf32> -> vector<1x8xf32>
    %add3A_170 = vector.broadcast %transpose3A_169 : vector<1x8xf32> to vector<2048x8xf32>
    %add3A_171 = arith.addf %sub3A_147, %add3A_170 : vector<2048x8xf32>
    %jit3A_172 = arith.constant 0.000000e+00 : f32
    %broadcast_in_dim3A_173 = vector.broadcast %jit3A_172 : f32 to vector<2048x8xf32>
    %select_n3A_174 = arith.select %eq3A_19, %add3A_171, %broadcast_in_dim3A_173 : vector<2048x8xi1>, vector<2048x8xf32>
    %reduce_sum3A_175 = arith.constant dense<0.000000e+00> : vector<2048xf32>
    %reduce_sum3A_176 = vector.multi_reduction <add>, %select_n3A_174, %reduce_sum3A_175 [1] : vector<2048x8xf32> to vector<2048xf32>
    %broadcast_in_dim3A_177 = vector.shape_cast %reduce_sum3A_176 : vector<2048xf32> to vector<2048x1xf32>
    %add3A_178 = vector.broadcast %transpose3A_169 : vector<1x8xf32> to vector<2048x8xf32>
    %add3A_179 = arith.addf %sub3A_147, %add3A_178 : vector<2048x8xf32>
    %jit3A_180 = arith.constant 0.000000e+00 : f32
    %broadcast_in_dim3A_181 = vector.broadcast %jit3A_180 : f32 to vector<2048x8xf32>
    %select_n3A_182 = arith.select %eq3A_35, %add3A_179, %broadcast_in_dim3A_181 : vector<2048x8xi1>, vector<2048x8xf32>
    %reduce_sum3A_183 = arith.constant dense<0.000000e+00> : vector<2048xf32>
    %reduce_sum3A_184 = vector.multi_reduction <add>, %select_n3A_182, %reduce_sum3A_183 [1] : vector<2048x8xf32> to vector<2048xf32>
    %broadcast_in_dim3A_185 = vector.shape_cast %reduce_sum3A_184 : vector<2048xf32> to vector<2048x1xf32>
    %concatenate3A_186 = tpu.concatenate %broadcast_in_dim3A_177, %broadcast_in_dim3A_185 in 1 : vector<2048x1xf32>, vector<2048x1xf32> -> vector<2048x2xf32>
    %convert_element_type3A_187 = arith.fptosi %concatenate3A_186 : vector<2048x2xf32> to vector<2048x2xi32>
    %swap3A_188 = arith.constant 0 : index
    %swap3A_189 = arith.constant 0 : index
    %swap3A_190 = vector.load %arg2[%swap3A_188, %swap3A_189] : memref<2048x2xi32, #tpu.memory_space<vmem>>, vector<2048x2xi32>
    tpu.vector_store %arg2[%swap3A_188, %swap3A_189], %convert_element_type3A_187 {strides = array<i32>} : memref<2048x2xi32, #tpu.memory_space<vmem>>, vector<2048x2xi32>,
    %iota3A_191 = tpu.iota {dimensions = array<i32: 1>} : vector<8x32xi32>
    %convert_element_type3A_192 = arith.sitofp %iota3A_191 : vector<8x32xi32> to vector<8x32xf32>
    %iota3A_193 = tpu.iota {dimensions = array<i32: 0>} : vector<8x32xi32>
    %convert_element_type3A_194 = arith.sitofp %iota3A_193 : vector<8x32xi32> to vector<8x32xf32>
    %ge3A = vector.broadcast %div3A_168 : vector<8x1xf32> to vector<8x32xf32>
    %ge3A_195 = arith.cmpf oge, %convert_element_type3A_192, %ge3A : vector<8x32xf32>
    %add3A_196 = arith.addf %div3A_168, %div3A_157 : vector<8x1xf32>
    %lt3A_197 = vector.broadcast %add3A_196 : vector<8x1xf32> to vector<8x32xf32>
    %lt3A_198 = arith.cmpf olt, %convert_element_type3A_192, %lt3A_197 : vector<8x32xf32>
    %and3A = arith.andi %ge3A_195, %lt3A_198 : vector<8x32xi1>
    %jit3A_199 = arith.constant 0.000000e+00 : f32
    %broadcast_in_dim3A_200 = vector.broadcast %jit3A_199 : f32 to vector<8x32xf32>
    %select_n3A_201 = arith.select %and3A, %convert_element_type3A_194, %broadcast_in_dim3A_200 : vector<8x32xi1>, vector<8x32xf32>
    %reduce_sum3A_202 = arith.constant dense<0.000000e+00> : vector<32xf32>
    %reduce_sum3A_203 = vector.multi_reduction <add>, %select_n3A_201, %reduce_sum3A_202 [0] : vector<8x32xf32> to vector<32xf32>
    %broadcast_in_dim3A_204 = vector.shape_cast %reduce_sum3A_203 : vector<32xf32> to vector<1x32xf32>
    %sub3A_205 = vector.broadcast %div3A_168 : vector<8x1xf32> to vector<8x32xf32>
    %sub3A_206 = arith.subf %convert_element_type3A_192, %sub3A_205 : vector<8x32xf32>
    %jit3A_207 = arith.constant 0.000000e+00 : f32
    %broadcast_in_dim3A_208 = vector.broadcast %jit3A_207 : f32 to vector<8x32xf32>
    %select_n3A_209 = arith.select %and3A, %sub3A_206, %broadcast_in_dim3A_208 : vector<8x32xi1>, vector<8x32xf32>
    %reduce_sum3A_210 = arith.constant dense<0.000000e+00> : vector<32xf32>
    %reduce_sum3A_211 = vector.multi_reduction <add>, %select_n3A_209, %reduce_sum3A_210 [0] : vector<8x32xf32> to vector<32xf32>
    %broadcast_in_dim3A_212 = vector.shape_cast %reduce_sum3A_211 : vector<32xf32> to vector<1x32xf32>
    %jit3A_213 = arith.constant 0.000000e+00 : f32
    %broadcast_in_dim3A_214 = vector.shape_cast %dot_general3A_165 : vector<8x1xf32> to vector<8x1xf32>
    %broadcast_in_dim3A_215 = vector.broadcast %broadcast_in_dim3A_214 : vector<8x1xf32> to vector<8x32xf32>
    %broadcast_in_dim3A_216 = vector.broadcast %jit3A_213 : f32 to vector<8x32xf32>
    %select_n3A_217 = arith.select %and3A, %broadcast_in_dim3A_215, %broadcast_in_dim3A_216 : vector<8x32xi1>, vector<8x32xf32>
    %reduce_sum3A_218 = arith.constant dense<0.000000e+00> : vector<32xf32>
    %reduce_sum3A_219 = vector.multi_reduction <add>, %select_n3A_217, %reduce_sum3A_218 [0] : vector<8x32xf32> to vector<32xf32>
    %broadcast_in_dim3A_220 = vector.shape_cast %reduce_sum3A_219 : vector<32xf32> to vector<1x32xf32>
    %jit3A_221 = arith.constant 0.000000e+00 : f32
    %broadcast_in_dim3A_222 = vector.shape_cast %transpose3A : vector<8x1xf32> to vector<8x1xf32>
    %broadcast_in_dim3A_223 = vector.broadcast %broadcast_in_dim3A_222 : vector<8x1xf32> to vector<8x32xf32>
    %broadcast_in_dim3A_224 = vector.broadcast %jit3A_221 : f32 to vector<8x32xf32>
    %select_n3A_225 = arith.select %and3A, %broadcast_in_dim3A_223, %broadcast_in_dim3A_224 : vector<8x32xi1>, vector<8x32xf32>
    %reduce_sum3A_226 = arith.constant dense<0.000000e+00> : vector<32xf32>
    %reduce_sum3A_227 = vector.multi_reduction <add>, %select_n3A_225, %reduce_sum3A_226 [0] : vector<8x32xf32> to vector<32xf32>
    %broadcast_in_dim3A_228 = vector.shape_cast %reduce_sum3A_227 : vector<32xf32> to vector<1x32xf32>
    %concatenate3A_229 = tpu.concatenate %broadcast_in_dim3A_204, %broadcast_in_dim3A_212, %broadcast_in_dim3A_220, %broadcast_in_dim3A_228 in 0 : vector<1x32xf32>, vector<1x32xf32>, vector<1x32xf32>, vector<1x32xf32> -> vector<4x32xf32>
    %convert_element_type3A_230 = arith.fptosi %concatenate3A_229 : vector<4x32xf32> to vector<4x32xi32>
    %swap3A_231 = arith.constant 0 : index
    %swap3A_232 = arith.constant 0 : index
    %swap3A_233 = vector.load %arg4[%swap3A_231, %swap3A_232] : memref<4x32xi32, #tpu.memory_space<vmem>>, vector<4x32xi32>
    tpu.vector_store %arg4[%swap3A_231, %swap3A_232], %convert_element_type3A_230 {strides = array<i32>} : memref<4x32xi32, #tpu.memory_space<vmem>>, vector<4x32xi32>,
    return
  }
}

module attributes {stable_mosaic.version = 14 : i64} {
  func.func @_attn_body(%arg0: i32, %arg1: memref<24xi32, #tpu.memory_space<smem>>, %arg2: memref<24xi32, #tpu.memory_space<smem>>, %arg3: memref<24xi32, #tpu.memory_space<smem>>, %arg4: memref<24xi32, #tpu.memory_space<smem>>, %arg5: memref<256x1024xf32, #tpu.memory_space<vmem>>, %arg6: memref<8x1024x128xbf16, #tpu.memory_space<vmem>>, %arg7: memref<8x1024x128xbf16, #tpu.memory_space<vmem>>, %arg8: memref<8x1024x128xbf16, #tpu.memory_space<vmem>>, %arg9: memref<256x128xf32, #tpu.memory_space<vmem>>, %arg10: memref<6144x128xbf16, #tpu.memory_space<vmem>>, %arg11: memref<6144x128xbf16, #tpu.memory_space<vmem>>) attributes {dimension_semantics = [#tpu.dimension_semantics<arbitrary>], iteration_bounds = array<i64: 24>, scalar_prefetch = 4 : i64, scratch_operands = 2 : i64, tpu.core_type = #tpu.core_type<tc>, window_params = [{transform_indices = @transform_0, window_bounds = array<i64: 256, 1024>}, {pipeline_mode = #tpu.pipeline_mode<synchronous>, transform_indices = @transform_1, window_bounds = array<i64: 8, 1024, 128>}, {pipeline_mode = #tpu.pipeline_mode<synchronous>, transform_indices = @transform_2, window_bounds = array<i64: 8, 1024, 128>}, {pipeline_mode = #tpu.pipeline_mode<synchronous>, transform_indices = @transform_3, window_bounds = array<i64: 8, 1024, 128>}, {transform_indices = @transform_4, window_bounds = array<i64: 256, 128>}]} {
    %get3A = arith.index_cast %arg0 : i32 to index
    %get3A_0 = memref.load %arg1[%get3A] : memref<24xi32, #tpu.memory_space<smem>>
    %get3A_1 = arith.index_cast %arg0 : i32 to index
    %get3A_2 = memref.load %arg2[%get3A_1] : memref<24xi32, #tpu.memory_space<smem>>
    %get3A_3 = arith.index_cast %arg0 : i32 to index
    %get3A_4 = memref.load %arg3[%get3A_3] : memref<24xi32, #tpu.memory_space<smem>>
    %get3A_5 = arith.index_cast %arg0 : i32 to index
    %get3A_6 = memref.load %arg4[%get3A_5] : memref<24xi32, #tpu.memory_space<smem>>
    %gt3A = arith.constant 0 : i32
    %gt3A_7 = arith.cmpi sgt, %get3A_6, %gt3A : i32
    %convert_element_type3A = arith.extui %gt3A_7 : i1 to i32
    %cond3A = arith.constant 0.0883883461 : f32
    %cond3A_8 = arith.constant 0 : i32
    %cond3A_9 = arith.cmpi ne, %convert_element_type3A, %cond3A_8 : i32
    scf.if %cond3A_9 {
      %iota3A = tpu.iota {dimensions = array<i32: 0>} : vector<256x1xi32>
      %mul3A = arith.constant 256 : i32
      %mul3A_10 = arith.muli %get3A_2, %mul3A : i32
      %add3A = vector.broadcast %mul3A_10 : i32 to vector<256x1xi32>
      %add3A_11 = arith.addi %add3A, %iota3A : vector<256x1xi32>
      %lt3A = vector.broadcast %get3A_6 : i32 to vector<256x1xi32>
      %lt3A_12 = arith.cmpi slt, %add3A_11, %lt3A : vector<256x1xi32>
      %get3A_13 = arith.constant 0 : index
      %get3A_14 = arith.constant 0 : index
      %get3A_15 = vector.load %arg5[%get3A_13, %get3A_14] : memref<256x1024xf32, #tpu.memory_space<vmem>>, vector<256x1024xf32>
      %convert_element_type3A_16 = arith.extui %lt3A_12 : vector<256x1xi1> to vector<256x1xi32>
      %convert_element_type3A_17 = arith.sitofp %convert_element_type3A_16 : vector<256x1xi32> to vector<256x1xf32>
      %mul3A_18 = vector.broadcast %convert_element_type3A_17 : vector<256x1xf32> to vector<256x1024xf32>
      %mul3A_19 = arith.mulf %get3A_15, %mul3A_18 : vector<256x1024xf32>
      %convert_element_type3A_20 = arith.truncf %mul3A_19 : vector<256x1024xf32> to vector<256x1024xbf16>
      %get3A_21 = arith.index_cast %get3A_0 : i32 to index
      %get3A_22 = arith.constant 0 : index
      %get3A_23 = arith.constant 0 : index
      %get3A_24 = vector.load %arg6[%get3A_21, %get3A_22, %get3A_23] : memref<8x1024x128xbf16, #tpu.memory_space<vmem>>, vector<1x1024x128xbf16>
      %get3A_25 = vector.shape_cast %get3A_24 : vector<1x1024x128xbf16> to vector<1024x128xbf16>
      %dot_general3A = arith.constant dense<0.000000e+00> : vector<256x128xf32>
      %dot_general3A_26 = tpu.matmul %convert_element_type3A_20, %get3A_25, %dot_general3A {dimension_numbers = #tpu.dot_dimension_numbers<[1], [0], [0], [1], [0, 0, 1, 1], [], []>, transpose_lhs_hint = false} : vector<256x1024xbf16>, vector<1024x128xbf16>, vector<256x128xf32> -> vector<256x128xf32>
      %mul3A_27 = vector.broadcast %cond3A : f32 to vector<256x128xf32>
      %mul3A_28 = arith.mulf %dot_general3A_26, %mul3A_27 : vector<256x128xf32>
      %get3A_29 = arith.index_cast %get3A_0 : i32 to index
      %get3A_30 = arith.constant 0 : index
      %get3A_31 = arith.constant 0 : index
      %get3A_32 = vector.load %arg7[%get3A_29, %get3A_30, %get3A_31] : memref<8x1024x128xbf16, #tpu.memory_space<vmem>>, vector<1x1024x128xbf16>
      %get3A_33 = vector.shape_cast %get3A_32 : vector<1x1024x128xbf16> to vector<1024x128xbf16>
      %dot_general3A_34 = arith.constant dense<0.000000e+00> : vector<256x128xf32>
      %dot_general3A_35 = tpu.matmul %convert_element_type3A_20, %get3A_33, %dot_general3A_34 {dimension_numbers = #tpu.dot_dimension_numbers<[1], [0], [0], [1], [0, 0, 1, 1], [], []>, transpose_lhs_hint = false} : vector<256x1024xbf16>, vector<1024x128xbf16>, vector<256x128xf32> -> vector<256x128xf32>
      %convert_element_type3A_36 = arith.truncf %dot_general3A_35 : vector<256x128xf32> to vector<256x128xbf16>
      %mul3A_37 = arith.constant 256 : i32
      %mul3A_38 = arith.muli %arg0, %mul3A_37 : i32
      %swap3A = arith.index_cast %mul3A_38 : i32 to index
      %swap3A_39 = arith.constant 0 : index
      %swap3A_40 = vector.load %arg10[%swap3A, %swap3A_39] : memref<6144x128xbf16, #tpu.memory_space<vmem>>, vector<256x128xbf16>
      tpu.vector_store %arg10[%swap3A, %swap3A_39], %convert_element_type3A_36 {strides = array<i32>} : memref<6144x128xbf16, #tpu.memory_space<vmem>>, vector<256x128xbf16>,
      %get3A_41 = arith.index_cast %get3A_0 : i32 to index
      %get3A_42 = arith.constant 0 : index
      %get3A_43 = arith.constant 0 : index
      %get3A_44 = vector.load %arg8[%get3A_41, %get3A_42, %get3A_43] : memref<8x1024x128xbf16, #tpu.memory_space<vmem>>, vector<1x1024x128xbf16>
      %get3A_45 = vector.shape_cast %get3A_44 : vector<1x1024x128xbf16> to vector<1024x128xbf16>
      %dot_general3A_46 = arith.constant dense<0.000000e+00> : vector<256x128xf32>
      %dot_general3A_47 = tpu.matmul %convert_element_type3A_20, %get3A_45, %dot_general3A_46 {dimension_numbers = #tpu.dot_dimension_numbers<[1], [0], [0], [1], [0, 0, 1, 1], [], []>, transpose_lhs_hint = false} : vector<256x1024xbf16>, vector<1024x128xbf16>, vector<256x128xf32> -> vector<256x128xf32>
      %convert_element_type3A_48 = arith.truncf %dot_general3A_47 : vector<256x128xf32> to vector<256x128xbf16>
      %mul3A_49 = arith.constant 256 : i32
      %mul3A_50 = arith.muli %arg0, %mul3A_49 : i32
      %swap3A_51 = arith.index_cast %mul3A_50 : i32 to index
      %swap3A_52 = arith.constant 0 : index
      %swap3A_53 = vector.load %arg11[%swap3A_51, %swap3A_52] : memref<6144x128xbf16, #tpu.memory_space<vmem>>, vector<256x128xbf16>
      tpu.vector_store %arg11[%swap3A_51, %swap3A_52], %convert_element_type3A_48 {strides = array<i32>} : memref<6144x128xbf16, #tpu.memory_space<vmem>>, vector<256x128xbf16>,
      %mul3A_54 = arith.constant 256 : i32
      %mul3A_55 = arith.muli %get3A_2, %mul3A_54 : i32
      %iota3A_56 = tpu.iota {dimensions = array<i32: 0>} : vector<256x256xi32>
      %add3A_57 = vector.broadcast %mul3A_55 : i32 to vector<256x256xi32>
      %add3A_58 = arith.addi %add3A_57, %iota3A_56 : vector<256x256xi32>
      %iota3A_59 = tpu.iota {dimensions = array<i32: 1>} : vector<256x256xi32>
      %broadcast_in_dim3A = arith.constant -1.000000e+30 : f32
      %broadcast_in_dim3A_60 = vector.broadcast %broadcast_in_dim3A : f32 to vector<256x1xf32>
      %broadcast_in_dim3A_61 = arith.constant 0.000000e+00 : f32
      %broadcast_in_dim3A_62 = vector.broadcast %broadcast_in_dim3A_61 : f32 to vector<256x1xf32>
      %broadcast_in_dim3A_63 = arith.constant 0.000000e+00 : f32
      %broadcast_in_dim3A_64 = vector.broadcast %broadcast_in_dim3A_63 : f32 to vector<256x128xf32>
      %add3A_65 = arith.constant 1 : i32
      %add3A_66 = arith.addi %get3A_2, %add3A_65 : i32
      %while3A = arith.constant 0 : i32
      %while3A_67 = arith.subi %add3A_66, %while3A : i32
      %while3A_68 = arith.addi %while3A, %while3A_67 : i32
      %while3A_69 = arith.constant 1 : i32
      %while3A_70 = arith.divsi %while3A_67, %while3A_69 : i32
      %while3A_71 = arith.muli %while3A_70, %while3A_69 : i32
      %while3A_72 = arith.addi %while3A, %while3A_71 : i32
      %while3A_73 = arith.constant 1 : i32
      %while3A_74:3 = scf.for %while3A_81 = %while3A to %while3A_72 step %while3A_73 iter_args(%while3A_82 = %broadcast_in_dim3A_60, %while3A_83 = %broadcast_in_dim3A_62, %while3A_84 = %broadcast_in_dim3A_64) -> (vector<256x1xf32>, vector<256x1xf32>, vector<256x128xf32>)  : i32 {
        %mul3A_85 = arith.constant 256 : i32
        %mul3A_86 = arith.muli %while3A_81, %mul3A_85 : i32
        %add3A_87 = arith.addi %get3A_4, %mul3A_86 : i32
        %multiple_of3A = tpu.assume_multiple %add3A_87, 256 : i32
        %get3A_88 = arith.index_cast %multiple_of3A : i32 to index
        %get3A_89 = arith.constant 0 : index
        %get3A_90 = vector.load %arg10[%get3A_88, %get3A_89] : memref<6144x128xbf16, #tpu.memory_space<vmem>>, vector<256x128xbf16>
        %get3A_91 = arith.index_cast %multiple_of3A : i32 to index
        %get3A_92 = arith.constant 0 : index
        %get3A_93 = vector.load %arg11[%get3A_91, %get3A_92] : memref<6144x128xbf16, #tpu.memory_space<vmem>>, vector<256x128xbf16>
        %convert_element_type3A_94 = arith.truncf %mul3A_28 : vector<256x128xf32> to vector<256x128xbf16>
        %dot_general3A_95 = arith.constant dense<0.000000e+00> : vector<256x256xf32>
        %dot_general3A_96 = tpu.matmul %convert_element_type3A_94, %get3A_90, %dot_general3A_95 {dimension_numbers = #tpu.dot_dimension_numbers<[1], [1], [0], [0], [0, 0, 1, 0], [], []>, transpose_lhs_hint = false} : vector<256x128xbf16>, vector<256x128xbf16>, vector<256x256xf32> -> vector<256x256xf32>
        %mul3A_97 = arith.constant 256 : i32
        %mul3A_98 = arith.muli %while3A_81, %mul3A_97 : i32
        %add3A_99 = vector.broadcast %mul3A_98 : i32 to vector<256x256xi32>
        %add3A_100 = arith.addi %add3A_99, %iota3A_59 : vector<256x256xi32>
        %le3A = arith.cmpi sle, %add3A_100, %add3A_58 : vector<256x256xi32>
        %lt3A_101 = vector.broadcast %get3A_6 : i32 to vector<256x256xi32>
        %lt3A_102 = arith.cmpi slt, %add3A_100, %lt3A_101 : vector<256x256xi32>
        %and3A = arith.andi %le3A, %lt3A_102 : vector<256x256xi1>
        %jit3A = arith.constant -1.000000e+09 : f32
        %broadcast_in_dim3A_103 = vector.broadcast %jit3A : f32 to vector<256x256xf32>
        %select_n3A = arith.select %and3A, %dot_general3A_96, %broadcast_in_dim3A_103 : vector<256x256xi1>, vector<256x256xf32>
        %reduce_max3A = arith.constant dense<0xFF800000> : vector<256xf32>
        %reduce_max3A_104 = vector.multi_reduction <maximumf>, %select_n3A, %reduce_max3A [1] : vector<256x256xf32> to vector<256xf32>
        %broadcast_in_dim3A_105 = vector.shape_cast %reduce_max3A_104 : vector<256xf32> to vector<256x1xf32>
        %max3A = arith.maximumf %while3A_82, %broadcast_in_dim3A_105 : vector<256x1xf32>
        %sub3A = vector.broadcast %max3A : vector<256x1xf32> to vector<256x256xf32>
        %sub3A_106 = arith.subf %select_n3A, %sub3A : vector<256x256xf32>
        %exp3A = math.exp %sub3A_106 : vector<256x256xf32>
        %sub3A_107 = arith.subf %while3A_82, %max3A : vector<256x1xf32>
        %exp3A_108 = math.exp %sub3A_107 : vector<256x1xf32>
        %mul3A_109 = arith.mulf %while3A_83, %exp3A_108 : vector<256x1xf32>
        %reduce_sum3A = arith.constant dense<0.000000e+00> : vector<256xf32>
        %reduce_sum3A_110 = vector.multi_reduction <add>, %exp3A, %reduce_sum3A [1] : vector<256x256xf32> to vector<256xf32>
        %broadcast_in_dim3A_111 = vector.shape_cast %reduce_sum3A_110 : vector<256xf32> to vector<256x1xf32>
        %add3A_112 = arith.addf %mul3A_109, %broadcast_in_dim3A_111 : vector<256x1xf32>
        %mul3A_113 = vector.broadcast %exp3A_108 : vector<256x1xf32> to vector<256x128xf32>
        %mul3A_114 = arith.mulf %while3A_84, %mul3A_113 : vector<256x128xf32>
        %convert_element_type3A_115 = arith.truncf %exp3A : vector<256x256xf32> to vector<256x256xbf16>
        %dot_general3A_116 = arith.constant dense<0.000000e+00> : vector<256x128xf32>
        %dot_general3A_117 = tpu.matmul %convert_element_type3A_115, %get3A_93, %dot_general3A_116 {dimension_numbers = #tpu.dot_dimension_numbers<[1], [0], [0], [1], [0, 0, 1, 1], [], []>, transpose_lhs_hint = false} : vector<256x256xbf16>, vector<256x128xbf16>, vector<256x128xf32> -> vector<256x128xf32>
        %add3A_118 = arith.addf %mul3A_114, %dot_general3A_117 : vector<256x128xf32>
        scf.yield %max3A, %add3A_112, %add3A_118 : vector<256x1xf32>, vector<256x1xf32>, vector<256x128xf32>
      }
      %while3A_75 = arith.constant 1 : i32
      %while3A_76:3 = scf.for %while3A_81 = %while3A_72 to %while3A_68 step %while3A_75 iter_args(%while3A_82 = %while3A_74#0, %while3A_83 = %while3A_74#1, %while3A_84 = %while3A_74#2) -> (vector<256x1xf32>, vector<256x1xf32>, vector<256x128xf32>)  : i32 {
        %mul3A_85 = arith.constant 256 : i32
        %mul3A_86 = arith.muli %while3A_81, %mul3A_85 : i32
        %add3A_87 = arith.addi %get3A_4, %mul3A_86 : i32
        %multiple_of3A = tpu.assume_multiple %add3A_87, 256 : i32
        %get3A_88 = arith.index_cast %multiple_of3A : i32 to index
        %get3A_89 = arith.constant 0 : index
        %get3A_90 = vector.load %arg10[%get3A_88, %get3A_89] : memref<6144x128xbf16, #tpu.memory_space<vmem>>, vector<256x128xbf16>
        %get3A_91 = arith.index_cast %multiple_of3A : i32 to index
        %get3A_92 = arith.constant 0 : index
        %get3A_93 = vector.load %arg11[%get3A_91, %get3A_92] : memref<6144x128xbf16, #tpu.memory_space<vmem>>, vector<256x128xbf16>
        %convert_element_type3A_94 = arith.truncf %mul3A_28 : vector<256x128xf32> to vector<256x128xbf16>
        %dot_general3A_95 = arith.constant dense<0.000000e+00> : vector<256x256xf32>
        %dot_general3A_96 = tpu.matmul %convert_element_type3A_94, %get3A_90, %dot_general3A_95 {dimension_numbers = #tpu.dot_dimension_numbers<[1], [1], [0], [0], [0, 0, 1, 0], [], []>, transpose_lhs_hint = false} : vector<256x128xbf16>, vector<256x128xbf16>, vector<256x256xf32> -> vector<256x256xf32>
        %mul3A_97 = arith.constant 256 : i32
        %mul3A_98 = arith.muli %while3A_81, %mul3A_97 : i32
        %add3A_99 = vector.broadcast %mul3A_98 : i32 to vector<256x256xi32>
        %add3A_100 = arith.addi %add3A_99, %iota3A_59 : vector<256x256xi32>
        %le3A = arith.cmpi sle, %add3A_100, %add3A_58 : vector<256x256xi32>
        %lt3A_101 = vector.broadcast %get3A_6 : i32 to vector<256x256xi32>
        %lt3A_102 = arith.cmpi slt, %add3A_100, %lt3A_101 : vector<256x256xi32>
        %and3A = arith.andi %le3A, %lt3A_102 : vector<256x256xi1>
        %jit3A = arith.constant -1.000000e+09 : f32
        %broadcast_in_dim3A_103 = vector.broadcast %jit3A : f32 to vector<256x256xf32>
        %select_n3A = arith.select %and3A, %dot_general3A_96, %broadcast_in_dim3A_103 : vector<256x256xi1>, vector<256x256xf32>
        %reduce_max3A = arith.constant dense<0xFF800000> : vector<256xf32>
        %reduce_max3A_104 = vector.multi_reduction <maximumf>, %select_n3A, %reduce_max3A [1] : vector<256x256xf32> to vector<256xf32>
        %broadcast_in_dim3A_105 = vector.shape_cast %reduce_max3A_104 : vector<256xf32> to vector<256x1xf32>
        %max3A = arith.maximumf %while3A_82, %broadcast_in_dim3A_105 : vector<256x1xf32>
        %sub3A = vector.broadcast %max3A : vector<256x1xf32> to vector<256x256xf32>
        %sub3A_106 = arith.subf %select_n3A, %sub3A : vector<256x256xf32>
        %exp3A = math.exp %sub3A_106 : vector<256x256xf32>
        %sub3A_107 = arith.subf %while3A_82, %max3A : vector<256x1xf32>
        %exp3A_108 = math.exp %sub3A_107 : vector<256x1xf32>
        %mul3A_109 = arith.mulf %while3A_83, %exp3A_108 : vector<256x1xf32>
        %reduce_sum3A = arith.constant dense<0.000000e+00> : vector<256xf32>
        %reduce_sum3A_110 = vector.multi_reduction <add>, %exp3A, %reduce_sum3A [1] : vector<256x256xf32> to vector<256xf32>
        %broadcast_in_dim3A_111 = vector.shape_cast %reduce_sum3A_110 : vector<256xf32> to vector<256x1xf32>
        %add3A_112 = arith.addf %mul3A_109, %broadcast_in_dim3A_111 : vector<256x1xf32>
        %mul3A_113 = vector.broadcast %exp3A_108 : vector<256x1xf32> to vector<256x128xf32>
        %mul3A_114 = arith.mulf %while3A_84, %mul3A_113 : vector<256x128xf32>
        %convert_element_type3A_115 = arith.truncf %exp3A : vector<256x256xf32> to vector<256x256xbf16>
        %dot_general3A_116 = arith.constant dense<0.000000e+00> : vector<256x128xf32>
        %dot_general3A_117 = tpu.matmul %convert_element_type3A_115, %get3A_93, %dot_general3A_116 {dimension_numbers = #tpu.dot_dimension_numbers<[1], [0], [0], [1], [0, 0, 1, 1], [], []>, transpose_lhs_hint = false} : vector<256x256xbf16>, vector<256x128xbf16>, vector<256x128xf32> -> vector<256x128xf32>
        %add3A_118 = arith.addf %mul3A_114, %dot_general3A_117 : vector<256x128xf32>
        scf.yield %max3A, %add3A_112, %add3A_118 : vector<256x1xf32>, vector<256x1xf32>, vector<256x128xf32>
      }
      %div3A = vector.broadcast %while3A_76#1 : vector<256x1xf32> to vector<256x128xf32>
      %div3A_77 = arith.divf %while3A_76#2, %div3A : vector<256x128xf32>
      %swap3A_78 = arith.constant 0 : index
      %swap3A_79 = arith.constant 0 : index
      %swap3A_80 = vector.load %arg9[%swap3A_78, %swap3A_79] : memref<256x128xf32, #tpu.memory_space<vmem>>, vector<256x128xf32>
      tpu.vector_store %arg9[%swap3A_78, %swap3A_79], %div3A_77 {strides = array<i32>} : memref<256x128xf32, #tpu.memory_space<vmem>>, vector<256x128xf32>,
    } else {
    }
    return
  }
  func.func @transform_0(%arg0: i32, %arg1: memref<24xi32, #tpu.memory_space<smem>>, %arg2: memref<24xi32, #tpu.memory_space<smem>>, %arg3: memref<24xi32, #tpu.memory_space<smem>>, %arg4: memref<24xi32, #tpu.memory_space<smem>>) -> (i32, i32) {
    %get3A = arith.index_cast %arg0 : i32 to index
    %get3A_0 = memref.load %arg4[%get3A] : memref<24xi32, #tpu.memory_space<smem>>
    %gt3A = arith.constant 0 : i32
    %gt3A_1 = arith.cmpi sgt, %get3A_0, %gt3A : i32
    %jit3A = arith.constant 0 : i32
    %select_n3A = arith.select %gt3A_1, %arg0, %jit3A : i32
    %c0_i32 = arith.constant 0 : i32
    %c0_i32_2 = arith.constant 0 : i32
    return %select_n3A, %c0_i32 : i32, i32
  }
  func.func @transform_1(%arg0: i32, %arg1: memref<24xi32, #tpu.memory_space<smem>>, %arg2: memref<24xi32, #tpu.memory_space<smem>>, %arg3: memref<24xi32, #tpu.memory_space<smem>>, %arg4: memref<24xi32, #tpu.memory_space<smem>>) -> (i32, i32, i32) {
    %c0_i32 = arith.constant 0 : i32
    %c0_i32_0 = arith.constant 0 : i32
    %c0_i32_1 = arith.constant 0 : i32
    %c0_i32_2 = arith.constant 0 : i32
    return %c0_i32, %c0_i32_0, %c0_i32_1 : i32, i32, i32
  }
  func.func @transform_2(%arg0: i32, %arg1: memref<24xi32, #tpu.memory_space<smem>>, %arg2: memref<24xi32, #tpu.memory_space<smem>>, %arg3: memref<24xi32, #tpu.memory_space<smem>>, %arg4: memref<24xi32, #tpu.memory_space<smem>>) -> (i32, i32, i32) {
    %c0_i32 = arith.constant 0 : i32
    %c0_i32_0 = arith.constant 0 : i32
    %c0_i32_1 = arith.constant 0 : i32
    %c0_i32_2 = arith.constant 0 : i32
    return %c0_i32, %c0_i32_0, %c0_i32_1 : i32, i32, i32
  }
  func.func @transform_3(%arg0: i32, %arg1: memref<24xi32, #tpu.memory_space<smem>>, %arg2: memref<24xi32, #tpu.memory_space<smem>>, %arg3: memref<24xi32, #tpu.memory_space<smem>>, %arg4: memref<24xi32, #tpu.memory_space<smem>>) -> (i32, i32, i32) {
    %c0_i32 = arith.constant 0 : i32
    %c0_i32_0 = arith.constant 0 : i32
    %c0_i32_1 = arith.constant 0 : i32
    %c0_i32_2 = arith.constant 0 : i32
    return %c0_i32, %c0_i32_0, %c0_i32_1 : i32, i32, i32
  }
  func.func @transform_4(%arg0: i32, %arg1: memref<24xi32, #tpu.memory_space<smem>>, %arg2: memref<24xi32, #tpu.memory_space<smem>>, %arg3: memref<24xi32, #tpu.memory_space<smem>>, %arg4: memref<24xi32, #tpu.memory_space<smem>>) -> (i32, i32) {
    %c0_i32 = arith.constant 0 : i32
    %c0_i32_0 = arith.constant 0 : i32
    return %arg0, %c0_i32 : i32, i32
  }
}

module attributes {stable_mosaic.version = 14 : i64} {
  func.func @_combine_body(%arg0: i32, %arg1: memref<256x128xf32, #tpu.memory_space<vmem>>, %arg2: memref<256x128xf32, #tpu.memory_space<vmem>>, %arg3: memref<256x2xf32, #tpu.memory_space<vmem>>, %arg4: memref<256x8xf32, #tpu.memory_space<vmem>>, %arg5: memref<256x8xf32, #tpu.memory_space<vmem>>, %arg6: memref<8x128x1024xbf16, #tpu.memory_space<vmem>>, %arg7: memref<256x1024xf32, #tpu.memory_space<vmem>>) attributes {dimension_semantics = [#tpu.dimension_semantics<arbitrary>], iteration_bounds = array<i64: 8>, scalar_prefetch = 0 : i64, scratch_operands = 0 : i64, tpu.core_type = #tpu.core_type<tc>, window_params = [{transform_indices = @transform_0, window_bounds = array<i64: 256, 128>}, {transform_indices = @transform_1, window_bounds = array<i64: 256, 128>}, {transform_indices = @transform_2, window_bounds = array<i64: 256, 2>}, {transform_indices = @transform_3, window_bounds = array<i64: 256, 8>}, {transform_indices = @transform_4, window_bounds = array<i64: 256, 8>}, {pipeline_mode = #tpu.pipeline_mode<synchronous>, transform_indices = @transform_5, window_bounds = array<i64: 8, 128, 1024>}, {transform_indices = @transform_6, window_bounds = array<i64: 256, 1024>}]} {
    %get3A = arith.constant 0 : index
    %get3A_0 = arith.constant 0 : index
    %get3A_1 = vector.load %arg1[%get3A, %get3A_0] : memref<256x128xf32, #tpu.memory_space<vmem>>, vector<256x128xf32>
    %get3A_2 = arith.constant 0 : index
    %get3A_3 = arith.constant 0 : index
    %get3A_4 = vector.load %arg3[%get3A_2, %get3A_3] : memref<256x2xf32, #tpu.memory_space<vmem>>, vector<256x1xf32>
    %mul3A = vector.broadcast %get3A_4 : vector<256x1xf32> to vector<256x128xf32>
    %mul3A_5 = arith.mulf %get3A_1, %mul3A : vector<256x128xf32>
    %get3A_6 = arith.constant 0 : index
    %get3A_7 = arith.constant 0 : index
    %get3A_8 = vector.load %arg2[%get3A_6, %get3A_7] : memref<256x128xf32, #tpu.memory_space<vmem>>, vector<256x128xf32>
    %get3A_9 = arith.constant 0 : index
    %get3A_10 = arith.constant 1 : index
    %get3A_11 = vector.load %arg3[%get3A_9, %get3A_10] : memref<256x2xf32, #tpu.memory_space<vmem>>, vector<256x1xf32>
    %mul3A_12 = vector.broadcast %get3A_11 : vector<256x1xf32> to vector<256x128xf32>
    %mul3A_13 = arith.mulf %get3A_8, %mul3A_12 : vector<256x128xf32>
    %broadcast_in_dim3A = arith.constant 0.000000e+00 : f32
    %broadcast_in_dim3A_14 = vector.broadcast %broadcast_in_dim3A : f32 to vector<256x1024xf32>
    %get3A_15 = arith.constant 0 : index
    %get3A_16 = arith.constant 0 : index
    %get3A_17 = vector.load %arg4[%get3A_15, %get3A_16] : memref<256x8xf32, #tpu.memory_space<vmem>>, vector<256x1xf32>
    %mul3A_18 = vector.broadcast %get3A_17 : vector<256x1xf32> to vector<256x128xf32>
    %mul3A_19 = arith.mulf %mul3A_5, %mul3A_18 : vector<256x128xf32>
    %get3A_20 = arith.constant 0 : index
    %get3A_21 = arith.constant 0 : index
    %get3A_22 = vector.load %arg5[%get3A_20, %get3A_21] : memref<256x8xf32, #tpu.memory_space<vmem>>, vector<256x1xf32>
    %mul3A_23 = vector.broadcast %get3A_22 : vector<256x1xf32> to vector<256x128xf32>
    %mul3A_24 = arith.mulf %mul3A_13, %mul3A_23 : vector<256x128xf32>
    %add3A = arith.addf %mul3A_19, %mul3A_24 : vector<256x128xf32>
    %convert_element_type3A = arith.truncf %add3A : vector<256x128xf32> to vector<256x128xbf16>
    %get3A_25 = arith.constant 0 : index
    %get3A_26 = arith.constant 0 : index
    %get3A_27 = arith.constant 0 : index
    %get3A_28 = vector.load %arg6[%get3A_25, %get3A_26, %get3A_27] : memref<8x128x1024xbf16, #tpu.memory_space<vmem>>, vector<1x128x1024xbf16>
    %get3A_29 = vector.shape_cast %get3A_28 : vector<1x128x1024xbf16> to vector<128x1024xbf16>
    %dot_general3A = arith.constant dense<0.000000e+00> : vector<256x1024xf32>
    %dot_general3A_30 = tpu.matmul %convert_element_type3A, %get3A_29, %dot_general3A {dimension_numbers = #tpu.dot_dimension_numbers<[1], [0], [0], [1], [0, 0, 1, 1], [], []>, transpose_lhs_hint = false} : vector<256x128xbf16>, vector<128x1024xbf16>, vector<256x1024xf32> -> vector<256x1024xf32>
    %add3A_31 = arith.addf %broadcast_in_dim3A_14, %dot_general3A_30 : vector<256x1024xf32>
    %get3A_32 = arith.constant 0 : index
    %get3A_33 = arith.constant 1 : index
    %get3A_34 = vector.load %arg4[%get3A_32, %get3A_33] : memref<256x8xf32, #tpu.memory_space<vmem>>, vector<256x1xf32>
    %mul3A_35 = vector.broadcast %get3A_34 : vector<256x1xf32> to vector<256x128xf32>
    %mul3A_36 = arith.mulf %mul3A_5, %mul3A_35 : vector<256x128xf32>
    %get3A_37 = arith.constant 0 : index
    %get3A_38 = arith.constant 1 : index
    %get3A_39 = vector.load %arg5[%get3A_37, %get3A_38] : memref<256x8xf32, #tpu.memory_space<vmem>>, vector<256x1xf32>
    %mul3A_40 = vector.broadcast %get3A_39 : vector<256x1xf32> to vector<256x128xf32>
    %mul3A_41 = arith.mulf %mul3A_13, %mul3A_40 : vector<256x128xf32>
    %add3A_42 = arith.addf %mul3A_36, %mul3A_41 : vector<256x128xf32>
    %convert_element_type3A_43 = arith.truncf %add3A_42 : vector<256x128xf32> to vector<256x128xbf16>
    %get3A_44 = arith.constant 1 : index
    %get3A_45 = arith.constant 0 : index
    %get3A_46 = arith.constant 0 : index
    %get3A_47 = vector.load %arg6[%get3A_44, %get3A_45, %get3A_46] : memref<8x128x1024xbf16, #tpu.memory_space<vmem>>, vector<1x128x1024xbf16>
    %get3A_48 = vector.shape_cast %get3A_47 : vector<1x128x1024xbf16> to vector<128x1024xbf16>
    %dot_general3A_49 = arith.constant dense<0.000000e+00> : vector<256x1024xf32>
    %dot_general3A_50 = tpu.matmul %convert_element_type3A_43, %get3A_48, %dot_general3A_49 {dimension_numbers = #tpu.dot_dimension_numbers<[1], [0], [0], [1], [0, 0, 1, 1], [], []>, transpose_lhs_hint = false} : vector<256x128xbf16>, vector<128x1024xbf16>, vector<256x1024xf32> -> vector<256x1024xf32>
    %add3A_51 = arith.addf %add3A_31, %dot_general3A_50 : vector<256x1024xf32>
    %get3A_52 = arith.constant 0 : index
    %get3A_53 = arith.constant 2 : index
    %get3A_54 = vector.load %arg4[%get3A_52, %get3A_53] : memref<256x8xf32, #tpu.memory_space<vmem>>, vector<256x1xf32>
    %mul3A_55 = vector.broadcast %get3A_54 : vector<256x1xf32> to vector<256x128xf32>
    %mul3A_56 = arith.mulf %mul3A_5, %mul3A_55 : vector<256x128xf32>
    %get3A_57 = arith.constant 0 : index
    %get3A_58 = arith.constant 2 : index
    %get3A_59 = vector.load %arg5[%get3A_57, %get3A_58] : memref<256x8xf32, #tpu.memory_space<vmem>>, vector<256x1xf32>
    %mul3A_60 = vector.broadcast %get3A_59 : vector<256x1xf32> to vector<256x128xf32>
    %mul3A_61 = arith.mulf %mul3A_13, %mul3A_60 : vector<256x128xf32>
    %add3A_62 = arith.addf %mul3A_56, %mul3A_61 : vector<256x128xf32>
    %convert_element_type3A_63 = arith.truncf %add3A_62 : vector<256x128xf32> to vector<256x128xbf16>
    %get3A_64 = arith.constant 2 : index
    %get3A_65 = arith.constant 0 : index
    %get3A_66 = arith.constant 0 : index
    %get3A_67 = vector.load %arg6[%get3A_64, %get3A_65, %get3A_66] : memref<8x128x1024xbf16, #tpu.memory_space<vmem>>, vector<1x128x1024xbf16>
    %get3A_68 = vector.shape_cast %get3A_67 : vector<1x128x1024xbf16> to vector<128x1024xbf16>
    %dot_general3A_69 = arith.constant dense<0.000000e+00> : vector<256x1024xf32>
    %dot_general3A_70 = tpu.matmul %convert_element_type3A_63, %get3A_68, %dot_general3A_69 {dimension_numbers = #tpu.dot_dimension_numbers<[1], [0], [0], [1], [0, 0, 1, 1], [], []>, transpose_lhs_hint = false} : vector<256x128xbf16>, vector<128x1024xbf16>, vector<256x1024xf32> -> vector<256x1024xf32>
    %add3A_71 = arith.addf %add3A_51, %dot_general3A_70 : vector<256x1024xf32>
    %get3A_72 = arith.constant 0 : index
    %get3A_73 = arith.constant 3 : index
    %get3A_74 = vector.load %arg4[%get3A_72, %get3A_73] : memref<256x8xf32, #tpu.memory_space<vmem>>, vector<256x1xf32>
    %mul3A_75 = vector.broadcast %get3A_74 : vector<256x1xf32> to vector<256x128xf32>
    %mul3A_76 = arith.mulf %mul3A_5, %mul3A_75 : vector<256x128xf32>
    %get3A_77 = arith.constant 0 : index
    %get3A_78 = arith.constant 3 : index
    %get3A_79 = vector.load %arg5[%get3A_77, %get3A_78] : memref<256x8xf32, #tpu.memory_space<vmem>>, vector<256x1xf32>
    %mul3A_80 = vector.broadcast %get3A_79 : vector<256x1xf32> to vector<256x128xf32>
    %mul3A_81 = arith.mulf %mul3A_13, %mul3A_80 : vector<256x128xf32>
    %add3A_82 = arith.addf %mul3A_76, %mul3A_81 : vector<256x128xf32>
    %convert_element_type3A_83 = arith.truncf %add3A_82 : vector<256x128xf32> to vector<256x128xbf16>
    %get3A_84 = arith.constant 3 : index
    %get3A_85 = arith.constant 0 : index
    %get3A_86 = arith.constant 0 : index
    %get3A_87 = vector.load %arg6[%get3A_84, %get3A_85, %get3A_86] : memref<8x128x1024xbf16, #tpu.memory_space<vmem>>, vector<1x128x1024xbf16>
    %get3A_88 = vector.shape_cast %get3A_87 : vector<1x128x1024xbf16> to vector<128x1024xbf16>
    %dot_general3A_89 = arith.constant dense<0.000000e+00> : vector<256x1024xf32>
    %dot_general3A_90 = tpu.matmul %convert_element_type3A_83, %get3A_88, %dot_general3A_89 {dimension_numbers = #tpu.dot_dimension_numbers<[1], [0], [0], [1], [0, 0, 1, 1], [], []>, transpose_lhs_hint = false} : vector<256x128xbf16>, vector<128x1024xbf16>, vector<256x1024xf32> -> vector<256x1024xf32>
    %add3A_91 = arith.addf %add3A_71, %dot_general3A_90 : vector<256x1024xf32>
    %get3A_92 = arith.constant 0 : index
    %get3A_93 = arith.constant 4 : index
    %get3A_94 = vector.load %arg4[%get3A_92, %get3A_93] : memref<256x8xf32, #tpu.memory_space<vmem>>, vector<256x1xf32>
    %mul3A_95 = vector.broadcast %get3A_94 : vector<256x1xf32> to vector<256x128xf32>
    %mul3A_96 = arith.mulf %mul3A_5, %mul3A_95 : vector<256x128xf32>
    %get3A_97 = arith.constant 0 : index
    %get3A_98 = arith.constant 4 : index
    %get3A_99 = vector.load %arg5[%get3A_97, %get3A_98] : memref<256x8xf32, #tpu.memory_space<vmem>>, vector<256x1xf32>
    %mul3A_100 = vector.broadcast %get3A_99 : vector<256x1xf32> to vector<256x128xf32>
    %mul3A_101 = arith.mulf %mul3A_13, %mul3A_100 : vector<256x128xf32>
    %add3A_102 = arith.addf %mul3A_96, %mul3A_101 : vector<256x128xf32>
    %convert_element_type3A_103 = arith.truncf %add3A_102 : vector<256x128xf32> to vector<256x128xbf16>
    %get3A_104 = arith.constant 4 : index
    %get3A_105 = arith.constant 0 : index
    %get3A_106 = arith.constant 0 : index
    %get3A_107 = vector.load %arg6[%get3A_104, %get3A_105, %get3A_106] : memref<8x128x1024xbf16, #tpu.memory_space<vmem>>, vector<1x128x1024xbf16>
    %get3A_108 = vector.shape_cast %get3A_107 : vector<1x128x1024xbf16> to vector<128x1024xbf16>
    %dot_general3A_109 = arith.constant dense<0.000000e+00> : vector<256x1024xf32>
    %dot_general3A_110 = tpu.matmul %convert_element_type3A_103, %get3A_108, %dot_general3A_109 {dimension_numbers = #tpu.dot_dimension_numbers<[1], [0], [0], [1], [0, 0, 1, 1], [], []>, transpose_lhs_hint = false} : vector<256x128xbf16>, vector<128x1024xbf16>, vector<256x1024xf32> -> vector<256x1024xf32>
    %add3A_111 = arith.addf %add3A_91, %dot_general3A_110 : vector<256x1024xf32>
    %get3A_112 = arith.constant 0 : index
    %get3A_113 = arith.constant 5 : index
    %get3A_114 = vector.load %arg4[%get3A_112, %get3A_113] : memref<256x8xf32, #tpu.memory_space<vmem>>, vector<256x1xf32>
    %mul3A_115 = vector.broadcast %get3A_114 : vector<256x1xf32> to vector<256x128xf32>
    %mul3A_116 = arith.mulf %mul3A_5, %mul3A_115 : vector<256x128xf32>
    %get3A_117 = arith.constant 0 : index
    %get3A_118 = arith.constant 5 : index
    %get3A_119 = vector.load %arg5[%get3A_117, %get3A_118] : memref<256x8xf32, #tpu.memory_space<vmem>>, vector<256x1xf32>
    %mul3A_120 = vector.broadcast %get3A_119 : vector<256x1xf32> to vector<256x128xf32>
    %mul3A_121 = arith.mulf %mul3A_13, %mul3A_120 : vector<256x128xf32>
    %add3A_122 = arith.addf %mul3A_116, %mul3A_121 : vector<256x128xf32>
    %convert_element_type3A_123 = arith.truncf %add3A_122 : vector<256x128xf32> to vector<256x128xbf16>
    %get3A_124 = arith.constant 5 : index
    %get3A_125 = arith.constant 0 : index
    %get3A_126 = arith.constant 0 : index
    %get3A_127 = vector.load %arg6[%get3A_124, %get3A_125, %get3A_126] : memref<8x128x1024xbf16, #tpu.memory_space<vmem>>, vector<1x128x1024xbf16>
    %get3A_128 = vector.shape_cast %get3A_127 : vector<1x128x1024xbf16> to vector<128x1024xbf16>
    %dot_general3A_129 = arith.constant dense<0.000000e+00> : vector<256x1024xf32>
    %dot_general3A_130 = tpu.matmul %convert_element_type3A_123, %get3A_128, %dot_general3A_129 {dimension_numbers = #tpu.dot_dimension_numbers<[1], [0], [0], [1], [0, 0, 1, 1], [], []>, transpose_lhs_hint = false} : vector<256x128xbf16>, vector<128x1024xbf16>, vector<256x1024xf32> -> vector<256x1024xf32>
    %add3A_131 = arith.addf %add3A_111, %dot_general3A_130 : vector<256x1024xf32>
    %get3A_132 = arith.constant 0 : index
    %get3A_133 = arith.constant 6 : index
    %get3A_134 = vector.load %arg4[%get3A_132, %get3A_133] : memref<256x8xf32, #tpu.memory_space<vmem>>, vector<256x1xf32>
    %mul3A_135 = vector.broadcast %get3A_134 : vector<256x1xf32> to vector<256x128xf32>
    %mul3A_136 = arith.mulf %mul3A_5, %mul3A_135 : vector<256x128xf32>
    %get3A_137 = arith.constant 0 : index
    %get3A_138 = arith.constant 6 : index
    %get3A_139 = vector.load %arg5[%get3A_137, %get3A_138] : memref<256x8xf32, #tpu.memory_space<vmem>>, vector<256x1xf32>
    %mul3A_140 = vector.broadcast %get3A_139 : vector<256x1xf32> to vector<256x128xf32>
    %mul3A_141 = arith.mulf %mul3A_13, %mul3A_140 : vector<256x128xf32>
    %add3A_142 = arith.addf %mul3A_136, %mul3A_141 : vector<256x128xf32>
    %convert_element_type3A_143 = arith.truncf %add3A_142 : vector<256x128xf32> to vector<256x128xbf16>
    %get3A_144 = arith.constant 6 : index
    %get3A_145 = arith.constant 0 : index
    %get3A_146 = arith.constant 0 : index
    %get3A_147 = vector.load %arg6[%get3A_144, %get3A_145, %get3A_146] : memref<8x128x1024xbf16, #tpu.memory_space<vmem>>, vector<1x128x1024xbf16>
    %get3A_148 = vector.shape_cast %get3A_147 : vector<1x128x1024xbf16> to vector<128x1024xbf16>
    %dot_general3A_149 = arith.constant dense<0.000000e+00> : vector<256x1024xf32>
    %dot_general3A_150 = tpu.matmul %convert_element_type3A_143, %get3A_148, %dot_general3A_149 {dimension_numbers = #tpu.dot_dimension_numbers<[1], [0], [0], [1], [0, 0, 1, 1], [], []>, transpose_lhs_hint = false} : vector<256x128xbf16>, vector<128x1024xbf16>, vector<256x1024xf32> -> vector<256x1024xf32>
    %add3A_151 = arith.addf %add3A_131, %dot_general3A_150 : vector<256x1024xf32>
    %get3A_152 = arith.constant 0 : index
    %get3A_153 = arith.constant 7 : index
    %get3A_154 = vector.load %arg4[%get3A_152, %get3A_153] : memref<256x8xf32, #tpu.memory_space<vmem>>, vector<256x1xf32>
    %mul3A_155 = vector.broadcast %get3A_154 : vector<256x1xf32> to vector<256x128xf32>
    %mul3A_156 = arith.mulf %mul3A_5, %mul3A_155 : vector<256x128xf32>
    %get3A_157 = arith.constant 0 : index
    %get3A_158 = arith.constant 7 : index
    %get3A_159 = vector.load %arg5[%get3A_157, %get3A_158] : memref<256x8xf32, #tpu.memory_space<vmem>>, vector<256x1xf32>
    %mul3A_160 = vector.broadcast %get3A_159 : vector<256x1xf32> to vector<256x128xf32>
    %mul3A_161 = arith.mulf %mul3A_13, %mul3A_160 : vector<256x128xf32>
    %add3A_162 = arith.addf %mul3A_156, %mul3A_161 : vector<256x128xf32>
    %convert_element_type3A_163 = arith.truncf %add3A_162 : vector<256x128xf32> to vector<256x128xbf16>
    %get3A_164 = arith.constant 7 : index
    %get3A_165 = arith.constant 0 : index
    %get3A_166 = arith.constant 0 : index
    %get3A_167 = vector.load %arg6[%get3A_164, %get3A_165, %get3A_166] : memref<8x128x1024xbf16, #tpu.memory_space<vmem>>, vector<1x128x1024xbf16>
    %get3A_168 = vector.shape_cast %get3A_167 : vector<1x128x1024xbf16> to vector<128x1024xbf16>
    %dot_general3A_169 = arith.constant dense<0.000000e+00> : vector<256x1024xf32>
    %dot_general3A_170 = tpu.matmul %convert_element_type3A_163, %get3A_168, %dot_general3A_169 {dimension_numbers = #tpu.dot_dimension_numbers<[1], [0], [0], [1], [0, 0, 1, 1], [], []>, transpose_lhs_hint = false} : vector<256x128xbf16>, vector<128x1024xbf16>, vector<256x1024xf32> -> vector<256x1024xf32>
    %add3A_171 = arith.addf %add3A_151, %dot_general3A_170 : vector<256x1024xf32>
    %swap3A = arith.constant 0 : index
    %swap3A_172 = arith.constant 0 : index
    %swap3A_173 = vector.load %arg7[%swap3A, %swap3A_172] : memref<256x1024xf32, #tpu.memory_space<vmem>>, vector<256x1024xf32>
    tpu.vector_store %arg7[%swap3A, %swap3A_172], %add3A_171 {strides = array<i32>} : memref<256x1024xf32, #tpu.memory_space<vmem>>, vector<256x1024xf32>,
    return
  }
  func.func @transform_0(%arg0: i32) -> (i32, i32) {
    %c0_i32 = arith.constant 0 : i32
    %c0_i32_0 = arith.constant 0 : i32
    return %arg0, %c0_i32 : i32, i32
  }
  func.func @transform_1(%arg0: i32) -> (i32, i32) {
    %c0_i32 = arith.constant 0 : i32
    %c0_i32_0 = arith.constant 0 : i32
    return %arg0, %c0_i32 : i32, i32
  }
  func.func @transform_2(%arg0: i32) -> (i32, i32) {
    %c0_i32 = arith.constant 0 : i32
    %c0_i32_0 = arith.constant 0 : i32
    return %arg0, %c0_i32 : i32, i32
  }
  func.func @transform_3(%arg0: i32) -> (i32, i32) {
    %c0_i32 = arith.constant 0 : i32
    %c0_i32_0 = arith.constant 0 : i32
    return %arg0, %c0_i32 : i32, i32
  }
  func.func @transform_4(%arg0: i32) -> (i32, i32) {
    %c0_i32 = arith.constant 0 : i32
    %c0_i32_0 = arith.constant 0 : i32
    return %arg0, %c0_i32 : i32, i32
  }
  func.func @transform_5(%arg0: i32) -> (i32, i32, i32) {
    %c0_i32 = arith.constant 0 : i32
    %c0_i32_0 = arith.constant 0 : i32
    %c0_i32_1 = arith.constant 0 : i32
    %c0_i32_2 = arith.constant 0 : i32
    return %c0_i32, %c0_i32_0, %c0_i32_1 : i32, i32, i32
  }
  func.func @transform_6(%arg0: i32) -> (i32, i32) {
    %c0_i32 = arith.constant 0 : i32
    %c0_i32_0 = arith.constant 0 : i32
    return %arg0, %c0_i32 : i32, i32
  }
}

</mosaic_0001>

<sc_bundles>
// kernel: kernel.10.cloned.1.call-start
scs
__scs_entry_jumppad:
0x0: {  	(pc) =	sbr.rel $0x88, $3  }
0x1: {  	(tag) =	ssettag $0x0;
	lr =	simm.s32 $0x1  }
0x2: {  	[smem:$0x3F9B] =	sst lr;
	_ =	strace $0xD0000000  }
0x3: {  	_ = 	snop  }
0x4: {  	_ = 	snop  }
0x5: {  	_ = 	snop  }
0x6: {  	_ = 	snop  }
0x7: {  	_ = 	snop  }
__scs_overlays_trampoline_lowered:
0x8: {  	[smem:$0x3FAA] =	sst s0  }
0x9: {  	[smem:$0x3FAB] =	sst s1  }
0xa: {  	[smem:$0x3FAC] =	sst s2  }
0xb: {  	[smem:$0x3FAD] =	sst s3  }
0xc: {  	[smem:$0x3FAE] =	sst s4  }
0xd: {  	[smem:$0x3FAF] =	sst s5  }
0xe: {  	[smem:$0x3FB0] =	sst s6  }
0xf: {  	[smem:$0x3FB1] =	sst s7  }
0x10: {  	[smem:$0x3FB2] =	sst s8  }
0x11: {  	[smem:$0x3FB3] =	sst s9;
	s0 =	simm.s32 @!p0 $0x0  }
0x12: {  	s1 =	sld [smem:$0x3F99];
	s0 =	simm.s32 @p0 $0x1  }
0x13: {  	[smem:$0x3FB4] =	sst s0;
	s0 =	simm.s32 @!p1 $0x0  }
0x14: {  	s2 =	sld [smem:$0x3F98];
	s0 =	simm.s32 @p1 $0x1  }
0x15: {  	[smem:$0x3FB5] =	sst s0;
	s0 =	simm.s32 @!p2 $0x0  }
0x16: {  	s3 =	sld [smem:$0x3FDB];
	s0 =	simm.s32 @p2 $0x1  }
0x17: {  	s4 =	simm.s32 $0x1BF5;
	[smem:$0x3FB7] =	sst s0  }
0x18: {  	s0 =	sld [smem:$0x3F9A];
	_ =	swait.ge [sflag:s4], $0x0  }
0x19: {  	s7 =	sld [smem:$0x3F9B]  }
0x1a: {  	s8 =	sadd.s32 $0xFFFFE003, lr  }
0x1b: {  	s9 =	sadd.s32 $0xFFFFFEF7, lr;
	s5 =	simm.s32 $0xFFFFFFFF;
	p2 =	slt.u32 s8, $0xFFFFF086  }
0x1c: {  	p1 =	slt.u32 s9, $0xF7A;
	s5 =	simm.s32 @!p2 $0x0  }
0x1d: {  	s5 =	simm.s32 @p1 $0x1;
	p0 =	seq.s32 s7, s2  }
0x1e: {  	s7 =	smul.u32 @!p0 $0xF7A, s2;
	p2 =	seq.s32 @!p0 s5, $0x0  }
0x1f: {  	s9 =	smul.u32 $0xF7A, s1;
	s8 =	simm.s32 @!p0 $0x1BF5;
	p2 =	por !p2, p0  }
0x20: {  	[sflag:s8] =	ssyncset.s32 @!p0 $0xFFFFF086;
	s6 =	sadd.s32 @!p0 s3, s7;
	s7 =	simm.s32 @!p0 $0x108  }
0x21: {  	s3 =	sadd.s32 s3, s9;
	s6 =	sadd.s32 @!p0 $0x88, s6;
	s7 =	simm.s32 @p2 $0x1082  }
0x22: {  	[simem:s7], [sflag:s8] =	dma.local @!p0 [hbm:s6], $0xF7A  }
0x23: {  	s9 =	sor.u32 $0xD0000000, s2;
	s6 =	simm.s32 $0x108;
	_ =	swait.ge @!p0 [sflag:s8], $0x0  }
0x24: {  	s3 =	sadd.s32 $0x88, s3;
	s6 =	simm.s32 @!p1 $0x1082;
	[sflag:s4] =	ssyncset.s32 $0xFFFFF086  }
0x25: {  	[simem:s6], [sflag:s4] =	dma.local [hbm:s3], $0xF7A  }
0x26: {  	[smem:$0x3F9B] =	sst s1;
	(tag) =	ssettag s2;
	_ =	strace s9  }
0x27: {  	s1 =	sld [smem:$0x3FAB]  }
0x28: {  	s2 =	sld [smem:$0x3FAC]  }
0x29: {  	s4 =	sld [smem:$0x3FAE]  }
0x2a: {  	p0 =	seq.s32 s5, $0x0;
	s5 =	sld [smem:$0x3FAF]  }
0x2b: {  	s6 =	sld [smem:$0x3FB0]  }
0x2c: {  	s7 =	sld [smem:$0x3FB1]  }
0x2d: {  	s3 =	simm.s32 $0x108;
	s8 =	sld [smem:$0x3FB2]  }
0x2e: {  	s3 =	simm.s32 @!p0 $0x1082;
	s9 =	sld [smem:$0x3FB3]  }
0x2f: {  	lr =	sadd.s32 s0, s3;
	s0 =	sld [smem:$0x3FAA]  }
0x30: {  	s3 =	sld [smem:$0x3FAD]  }
0x31: {  	[smem:$0x3FB6] =	sst s10  }
0x32: {  	s10 =	sld [smem:$0x3FB4];
	_ =	sdelay $0x3  }
0x33: {  	p0 =	seq.s32 s10, $0x1;
	s10 =	sld [smem:$0x3FB6];
	_ =	sdelay $0x3  }
0x34: {  	[smem:$0x3FB6] =	sst s10  }
0x35: {  	s10 =	sld [smem:$0x3FB5];
	_ =	sdelay $0x3  }
0x36: {  	p1 =	seq.s32 s10, $0x1;
	s10 =	sld [smem:$0x3FB6];
	_ =	sdelay $0x3  }
0x37: {  	[smem:$0x3FB6] =	sst s10  }
0x38: {  	s10 =	sld [smem:$0x3FB7]  }
0x39: {  	_ = 	snop;
	(pc) =	sbr.ind lr, $3  }
0x3a: {  	_ = 	snop  }
0x3b: {  	_ = 	snop  }
0x3c: {  	p2 =	seq.s32 s10, $0x1;
	s10 =	sld [smem:$0x3FB6]  }
0x3d: {  	_ =	shalt  }
0x3e: {  	_ =	shalt  }
0x3f: {  	_ =	shalt  }
0x40: {  	_ =	shalt  }
0x41: {  	_ =	shalt  }
0x42: {  	_ =	shalt  }
0x43: {  	_ =	shalt  }
0x44: {  	_ =	shalt  }
0x45: {  	_ =	shalt  }
0x46: {  	_ =	shalt  }
0x47: {  	_ =	shalt  }
0x48: {  	_ =	shalt  }
0x49: {  	_ =	shalt  }
0x4a: {  	_ =	shalt  }
0x4b: {  	_ =	shalt  }
0x4c: {  	_ =	shalt  }
0x4d: {  	_ =	shalt  }
0x4e: {  	_ =	shalt  }
0x4f: {  	_ =	shalt  }
0x50: {  	_ =	shalt  }
0x51: {  	_ =	shalt  }
0x52: {  	_ =	shalt  }
0x53: {  	_ =	shalt  }
0x54: {  	_ =	shalt  }
0x55: {  	_ =	shalt  }
0x56: {  	_ =	shalt  }
0x57: {  	_ =	shalt  }
0x58: {  	_ =	shalt  }
0x59: {  	_ =	shalt  }
0x5a: {  	_ =	shalt  }
0x5b: {  	_ =	shalt  }
0x5c: {  	_ =	shalt  }
0x5d: {  	_ =	shalt  }
0x5e: {  	_ =	shalt  }
0x5f: {  	_ =	shalt  }
0x60: {  	_ =	shalt  }
0x61: {  	_ =	shalt  }
0x62: {  	_ =	shalt  }
0x63: {  	_ =	shalt  }
0x64: {  	_ =	shalt  }
0x65: {  	_ =	shalt  }
0x66: {  	_ =	shalt  }
0x67: {  	_ =	shalt  }
0x68: {  	_ =	shalt  }
0x69: {  	_ =	shalt  }
0x6a: {  	_ =	shalt  }
0x6b: {  	_ =	shalt  }
0x6c: {  	_ =	shalt  }
0x6d: {  	_ =	shalt  }
0x6e: {  	_ =	shalt  }
0x6f: {  	_ =	shalt  }
0x70: {  	_ =	shalt  }
0x71: {  	_ =	shalt  }
0x72: {  	_ =	shalt  }
0x73: {  	_ =	shalt  }
0x74: {  	_ =	shalt  }
0x75: {  	_ =	shalt  }
0x76: {  	_ =	shalt  }
0x77: {  	_ =	shalt  }
0x78: {  	_ =	shalt  }
0x79: {  	_ =	shalt  }
0x7a: {  	_ =	shalt  }
0x7b: {  	_ =	shalt  }
0x7c: {  	_ =	shalt  }
0x7d: {  	_ =	shalt  }
0x7e: {  	_ =	shalt  }
0x7f: {  	_ =	shalt  }
0x80: {  	_ =	shalt  }
0x81: {  	_ =	shalt  }
0x82: {  	_ =	shalt  }
0x83: {  	_ =	shalt  }
0x84: {  	_ =	shalt  }
0x85: {  	_ =	shalt  }
0x86: {  	_ =	shalt  }
0x87: {  	_ =	shalt  }
.Lfunc_end0:
.L_simem_size_0:
called_computation.1_lowered:
.L_overlay_start_0:
0x88: {  	s2 =	sld [smem:$0x3FD9]  }
0x89: {  	s3 =	sld [smem:$0x3FFE];
	_ =	sdelay $0x1  }
0x8a: {  	s1 =	srdreg.scid  }
0x8b: {  	s0 =	sand.u32 $0x1, s1  }
0x8c: {  	s14 =	sshll.u32 s0, $0xA;
	s2 =	sadd.s32 s3, s2  }
0x8d: {  	s2 =	sadd.s32 s2, s14  }
0x8e: {  	[smem:$0x3FC2] =	sst s2  }
0x8f: {  	_ = 	snop  }
0x90: {  	s2 =	sld [smem:$0x3FD0];
	_ =	sdelay $0x2  }
0x91: {  	s15 =	simm.s32 $0xA;
	s4 =	simm.s32 $0x10  }
0x92: {  	[smem:s4], [sflag:s15] =	dma.local [hbm:s2], $0x1  }
0x93: {  	_ =	swait.eq [sflag:s15], $0x1  }
0x94: {  	[sflag:s15] =	ssyncset.done $0x0  }
0x95: {  	[sflag:s15] =	ssyncadd.s32 $0xFFFFFFFF  }
0x96: {  	s16 =	sld [smem:$0x10];
	(tm) =	ssettm $0x1  }
0x97: {  	s17 =	sld [smem:$0x3FFB];
	_ =	sdelay $0x3  }
0x98: {  	_ =	strace s17  }
0x99: {  	s3 =	sld [smem:$0x3FFC];
	_ =	sdelay $0x3  }
0x9a: {  	_ =	strace s3  }
0x9b: {  	s3 =	sld [smem:$0x3FFD];
	_ =	sdelay $0x3  }
0x9c: {  	_ =	strace s3  }
0x9d: {  	_ =	strace $0x8FFFFFFF  }
0x9e: {  	s18 =	sld [smem:$0x3FDB];
	_ =	sdelay $0x1  }
0x9f: {  	s19 =	simm.s32 $_scs_section_size  }
0xa0: {  	s5 =	simm.s32 $_size__tile_overlayer_lowered;
	s6 =	simm.s32 $_tile_overlayer_lowered  }
0xa1: {  	s22 =	simm.s32 $0x1BFF;
	s21 =	sshll.u32 s6, $0x1;
	s3 =	sadd.s32 s19, s18  }
0xa2: {  	s7 =	simm.s32 $0x0;
	s20 =	sshll.u32 s5, $0x1;
	s5 =	sadd.s32 s21, s3  }
0xa3: {  	[timem:s7], [sflag:s22] =	dma.local [hbm:s5], s20  }
0xa4: {  	_ =	swait.ge [sflag:s22], s20  }
0xa5: {  	s4 =	ssub.s32 $0x0, s20;
	[sflag:s22] =	ssyncset.done $0x0  }
0xa6: {  	[sflag:s22] =	ssyncadd.s32 s4;
	_ =	sdelay $0x1  }
0xa7: {  	s23 =	simm.s32 $0x1B8B  }
0xa8: {  	_ =	swait.ge [sflag:s23], $0x1  }
0xa9: {  	[sflag:s23] =	ssyncset.done $0x0  }
0xaa: {  	s25 =	simm.s32 $0x1B8E;
	s24 =	sld [smem:$0x3FFE];
	[sflag:s23] =	ssyncadd.s32 $0xFFFFFFFF  }
0xab: {  	s26 =	simm.s32 $execute0_lowered;
	[smem:$0x3FD2] =	sst s25  }
0xac: {  	s5 =	sshll.u32 s26, $0x1;
	_ =	strace $0x80000049;
	[dreg:$0x1] =	wrdreg $0xFFFFFFFF  }
0xad: {  	s28 =	simm.s32 $_size_execute0_lowered;
	s3 =	sadd.s32 s3, s5;
	[dreg:$0x0] =	wrdreg $0x0  }
0xae: {  	s5 =	sshll.u32 s28, $0x1;
	[dreg:$0x2] =	wrdreg s3  }
0xaf: {  	[dreg:$0x3] =	wrdreg s5  }
0xb0: {  	[dreg:$0x4] =	wrdreg $0xC0  }
0xb1: {  	_ =	task [dreg:s7], $0x5FFFF  }
0xb2: {  	[dreg:$0x1] =	wrdreg $0xFFFFFFFF  }
0xb3: {  	[dreg:$0x0] =	wrdreg $0x60  }
0xb4: {  	[dreg:$0x2] =	wrdreg s16  }
0xb5: {  	[dreg:$0x3] =	wrdreg s24  }
0xb6: {  	[dreg:$0x4] =	wrdreg $0x9  }
0xb7: {  	_ =	task.clear_ibuf [dreg:s7], $0x5FFFF;
	_ =	strace $0x90000049  }
0xb8: {  	s29 =	simm.s32 $0x9;
	_ =	strace $0x8000004B  }
0xb9: {  	_ =	swait.ge [sflag:s29], $0x1  }
0xba: {  	[sflag:s29] =	ssyncadd.s32 $0xFFFFFFFF  }
0xbb: {  	_ =	strace $0x9000004B  }
0xbc: {  	_ =	sfence  }
0xbd: {  	s30 =	sld [smem:$0x0];
	_ =	sdelay $0x2  }
0xbe: {  	s31 =	sshll.u32 s1, $0xD;
	s1 =	sshrl.u32 s1, $0x2  }
0xbf: {  	s3 =	sand.u32 $0x4000, s31;
	s1 =	sadd.s32 s1, s30  }
0xc0: {  	s0 =	sor.u32 s3, s0;
	s1 =	sshll.u32 s1, $0x11  }
0xc1: {  	s0 =	sor.u32 s1, s0  }
0xc2: {  	s0 =	sadd.s32 $0x8F2B, s0  }
0xc3: {  	[sflag:s0] =	ssyncadd.remote.s32 $0x1  }
0xc4: {  	_ =	sfence.sel $0xFFFF  }
0xc5: {  	[dreg:$0x0] =	wrdreg $0xFFFFFFFF;
	(pc) =	sbr.abs _section_cstart, $3  }
0xc6: {  	[dreg:$0x1] =	wrdreg $0xFFFFFFFF  }
0xc7: {  	_ =	task.clear_ibuf [dreg:s7], $0x2FFFF;
	_ =	strace $0x9FFFFFFF  }
0xc8: {  	(tm) =	ssettm $0x7FFFFFFF  }
0xc9: {  	_ =	shalt  }
tec
execute0_lowered:
.L_overlay_start_1:
0x0: {  	(tag) =	ssettag $0x1  }
0x1: {  	s1 =	srdreg.scid;
	s0 =	stileid.u32  }
0x2: {  	s2 =	rddreg [dreg:$0x0];
	s13 =	sand.u32 $0x1, s1;
	s4 =	sshll.u32 s0, $0x1  }
0x3: {  	s12 =	rddreg [dreg:$0x1];
	s14 =	sor.u32 s13, s4  }
0x4: {  	s3 =	simm.s32 $0x0;
	s6 =	simm.s32 $0x4000;
	s4 =	sshll.u32 s14, $0x4  }
0x5: {  	s5 =	simm.s32 $0x2;
	[smem:$0x7FF] =	sst s3;
	s7 =	sadd.s32 s4, s12  }
0x6: {  	s1 =	rddreg [dreg:$0x2];
	_ =	strace $0x8000004A;
	s4 =	sadd.s32 $0x1A00, s7  }
0x7: {  	[tilespmem:s6], [sflag:$0x2] =	stream.linear.gather [hbm4b:s4+s3], $0x80, $0x38;
	[tilespmem:$0x4100] =	vst v63  }
0x8: {  	_ =	swait.ge [sflag:s5], $0x80  }
0x9: {  	[sflag:s5] =	ssyncset.done $0x0  }
0xa: {  	s8 =	simm.s32 $0x4080;
	s7 =	sadd.s32 $0x1C00, s7;
	[sflag:s5] =	ssyncadd.s32 $0xFFFFFF80  }
0xb: {  	[tilespmem:s8], [sflag:$0x2] =	stream.linear.gather [hbm4b:s7+s3], $0x80, $0x38;
	[tilespmem:$0x4100] =	vst v63  }
0xc: {  	_ =	swait.ge [sflag:s5], $0x80  }
0xd: {  	[sflag:s5] =	ssyncset.done $0x0  }
0xe: {  	s9 =	simm.s32 $0x40;
	[sflag:s5] =	ssyncadd.s32 $0xFFFFFF80  }
0xf: {  	[tilespmem:s3], [sflag:$0x1] =	stream.indirect.gather [hbm4b:s2+s9], $0x80, s6, s9, $0xb8;
	[tilespmem:$0x4100] =	vst v63  }
0x10: {  	s10 =	simm.s32 $0x2000;
	s11 =	simm.s32 $0x1  }
0x11: {  	[tilespmem:s10], [sflag:$0x1] =	stream.indirect.gather [hbm4b:s2+s9], $0x80, s8, s9, $0xb8;
	[tilespmem:$0x4100] =	vst v63  }
0x12: {  	_ =	swait.ge [sflag:s11], $0x2000  }
0x13: {  	[sflag:s11] =	ssyncset.done $0x0  }
0x14: {  	s13 =	ssub.s32 $0x2, s13;
	[sflag:s11] =	ssyncadd.s32 $0xFFFFE000  }
0x15: {  	s14 =	sshll.u32 s14, $0xA;
	s15 =	sshrl.u32 s13, $0x1;
	_ =	swait.ge [sflag:s11], $0x2000  }
0x16: {  	s14 =	sadd.s32 s14, s12;
	s15 =	ssub.s32 s13, s15;
	[sflag:s11] =	ssyncset.done $0x0  }
0x17: {  	s12 =	sadd.s32 $0x1E00, s14;
	s31 =	smax.u32 s15, $0x1;
	[sflag:s11] =	ssyncadd.s32 $0xFFFFE000  }
0x18: {  	[hbm4b:s12+s3] =	stream.linear.scatter [tilespmem:s3], [sflag:$0x2], $0x2000, $0x38;
	[tilespmem:$0x4100] =	vst v63  }
0x19: {  	p0 =	sne.s32 s31, $0x1;
	_ =	swait.ge [sflag:s5], $0x2000  }
.Ltmp0:
0x1a: {  	[sflag:s5] =	ssyncset.done $0x0;
	(pc) =	sbr.rel @!p0 .LBB2_2-.Ltmp0, $4  }
0x1b: {  	s13 =	sadd.s32 $0x9E00, s14;
	[sflag:s5] =	ssyncadd.s32 $0xFFFFE000  }
0x1c: {  	[hbm4b:s13+s3] =	stream.linear.scatter [tilespmem:s10], [sflag:$0x2], $0x2000, $0x38;
	[tilespmem:$0x4100] =	vst v63  }
0x1d: {  	_ =	swait.ge [sflag:s5], $0x2000  }
0x1e: {  	s14 =	sadd.s32 $0xFFFFFFFF, s31;
	[sflag:s5] =	ssyncset.done $0x0  }
.LBB2_1:
0x1f: {  	p0 =	sne.s32 s14, $0x1;
	s14 =	sadd.s32 $0xFFFFFFFF, s14;
	[sflag:s5] =	ssyncadd.s32 $0xFFFFE000  }
0x20: {  	[tilespmem:s6], [sflag:$0x2] =	stream.linear.gather [hbm4b:s4+s3], $0x80, $0x38;
	[tilespmem:$0x4100] =	vst v63  }
0x21: {  	_ =	swait.ge [sflag:s5], $0x80  }
0x22: {  	[sflag:s5] =	ssyncset.done $0x0  }
0x23: {  	[sflag:s5] =	ssyncadd.s32 $0xFFFFFF80  }
0x24: {  	[tilespmem:s8], [sflag:$0x2] =	stream.linear.gather [hbm4b:s7+s3], $0x80, $0x38;
	[tilespmem:$0x4100] =	vst v63  }
0x25: {  	_ =	swait.ge [sflag:s5], $0x80  }
0x26: {  	[sflag:s5] =	ssyncset.done $0x0  }
0x27: {  	[sflag:s5] =	ssyncadd.s32 $0xFFFFFF80  }
0x28: {  	[tilespmem:s3], [sflag:$0x1] =	stream.indirect.gather [hbm4b:s2+s9], $0x80, s6, s9, $0xb8;
	[tilespmem:$0x4100] =	vst v63  }
0x29: {  	_ = 	snop  }
0x2a: {  	[tilespmem:s10], [sflag:$0x1] =	stream.indirect.gather [hbm4b:s2+s9], $0x80, s8, s9, $0xb8;
	[tilespmem:$0x4100] =	vst v63  }
0x2b: {  	_ =	swait.ge [sflag:s11], $0x2000  }
0x2c: {  	[sflag:s11] =	ssyncset.done $0x0  }
0x2d: {  	[sflag:s11] =	ssyncadd.s32 $0xFFFFE000  }
0x2e: {  	_ =	swait.ge [sflag:s11], $0x2000  }
0x2f: {  	[sflag:s11] =	ssyncset.done $0x0  }
0x30: {  	[sflag:s11] =	ssyncadd.s32 $0xFFFFE000  }
0x31: {  	[hbm4b:s12+s3] =	stream.linear.scatter [tilespmem:s3], [sflag:$0x2], $0x2000, $0x38;
	[tilespmem:$0x4100] =	vst v63  }
0x32: {  	_ =	swait.ge [sflag:s5], $0x2000  }
.Ltmp1:
0x33: {  	[sflag:s5] =	ssyncset.done $0x0;
	(pc) =	sbr.rel @p0 .LBB2_1-.Ltmp1, $4  }
0x34: {  	[sflag:s5] =	ssyncadd.s32 $0xFFFFE000  }
0x35: {  	[hbm4b:s13+s3] =	stream.linear.scatter [tilespmem:s10], [sflag:$0x2], $0x2000, $0x38;
	[tilespmem:$0x4100] =	vst v63  }
0x36: {  	_ =	swait.ge [sflag:s5], $0x2000  }
0x37: {  	[sflag:s5] =	ssyncset.done $0x0  }
.LBB2_2:
0x38: {  	[sflag:s5] =	ssyncadd.s32 $0xFFFFE000  }
0x39: {  	_ =	sfence.sel $0x180000  }
0x3a: {  	[bflag:$0x0] =	sbarrier.arrive $0xFFFF  }
0x3b: {  	p0 =	sne.s32 s0, $0x0;
	_ =	strace $0x9000004A  }
0x3c: {  	s0 =	sadd.s32 @!p0 $0x100000, s1;
	[bflag:$0x2] =	sbarrier.arrive $0xFFFF  }
0x3d: {  	[sflag:s0] =	ssyncadd.tile.s32 @!p0 $0x1;
	_ =	shalt  }
.Lfunc_end2:
_tile_overlayer_lowered:
.L_overlay_start_2:
0x3e: {  	(tag) =	ssettag $0x2  }
0x3f: {  	s0 =	rddreg [dreg:$0x0];
	s2 =	stileid.u32  }
0x40: {  	s1 =	rddreg [dreg:$0x1];
	p0 =	sne.s32 s2, $0x0  }
0x41: {  	s3 =	rddreg [dreg:$0x2];
	[bflag:$0x3] =	sbarrier.arrive $0xFFFF;
	s2 =	simm.s32 @!p0 $0x1C02  }
0x42: {  	[timem:s3], [sflag:s2] =	dma.local @!p0 [hbm:s0], s1  }
0x43: {  	s0 =	simm.s32 @!p0 $0x2  }
0x44: {  	_ =	swait.ge @!p0 [sflag:s0], s1  }
0x45: {  	s1 =	ssub.s32 @!p0 $0x0, s1;
	[sflag:s0] =	ssyncset.done @!p0 $0x0  }
0x46: {  	[sflag:s0] =	ssyncadd.s32 @!p0 s1  }
0x47: {  	[bflag:$0x3] =	sbarrier.arrive $0xFFFF  }
0x48: {  	_ =	shalt  }

// kernel: kernel.7.cloned.1.call-start
scs
__scs_entry_jumppad:
0x0: {  	(pc) =	sbr.rel $0x88, $3  }
0x1: {  	(tag) =	ssettag $0x0;
	lr =	simm.s32 $0x1  }
0x2: {  	[smem:$0x3F9B] =	sst lr;
	_ =	strace $0xD0000000  }
0x3: {  	_ = 	snop  }
0x4: {  	_ = 	snop  }
0x5: {  	_ = 	snop  }
0x6: {  	_ = 	snop  }
0x7: {  	_ = 	snop  }
__scs_overlays_trampoline_lowered:
0x8: {  	[smem:$0x3FAA] =	sst s0  }
0x9: {  	[smem:$0x3FAB] =	sst s1  }
0xa: {  	[smem:$0x3FAC] =	sst s2  }
0xb: {  	[smem:$0x3FAD] =	sst s3  }
0xc: {  	[smem:$0x3FAE] =	sst s4  }
0xd: {  	[smem:$0x3FAF] =	sst s5  }
0xe: {  	[smem:$0x3FB0] =	sst s6  }
0xf: {  	[smem:$0x3FB1] =	sst s7  }
0x10: {  	[smem:$0x3FB2] =	sst s8  }
0x11: {  	[smem:$0x3FB3] =	sst s9;
	s0 =	simm.s32 @!p0 $0x0  }
0x12: {  	s1 =	sld [smem:$0x3F99];
	s0 =	simm.s32 @p0 $0x1  }
0x13: {  	[smem:$0x3FB4] =	sst s0;
	s0 =	simm.s32 @!p1 $0x0  }
0x14: {  	s2 =	sld [smem:$0x3F98];
	s0 =	simm.s32 @p1 $0x1  }
0x15: {  	[smem:$0x3FB5] =	sst s0;
	s0 =	simm.s32 @!p2 $0x0  }
0x16: {  	s3 =	sld [smem:$0x3FDB];
	s0 =	simm.s32 @p2 $0x1  }
0x17: {  	s4 =	simm.s32 $0x1BF5;
	[smem:$0x3FB7] =	sst s0  }
0x18: {  	s0 =	sld [smem:$0x3F9A];
	_ =	swait.ge [sflag:s4], $0x0  }
0x19: {  	s7 =	sld [smem:$0x3F9B]  }
0x1a: {  	s8 =	sadd.s32 $0xFFFFE003, lr  }
0x1b: {  	s9 =	sadd.s32 $0xFFFFFEF7, lr;
	s5 =	simm.s32 $0xFFFFFFFF;
	p2 =	slt.u32 s8, $0xFFFFF086  }
0x1c: {  	p1 =	slt.u32 s9, $0xF7A;
	s5 =	simm.s32 @!p2 $0x0  }
0x1d: {  	s5 =	simm.s32 @p1 $0x1;
	p0 =	seq.s32 s7, s2  }
0x1e: {  	s7 =	smul.u32 @!p0 $0xF7A, s2;
	p2 =	seq.s32 @!p0 s5, $0x0  }
0x1f: {  	s9 =	smul.u32 $0xF7A, s1;
	s8 =	simm.s32 @!p0 $0x1BF5;
	p2 =	por !p2, p0  }
0x20: {  	[sflag:s8] =	ssyncset.s32 @!p0 $0xFFFFF086;
	s6 =	sadd.s32 @!p0 s3, s7;
	s7 =	simm.s32 @!p0 $0x108  }
0x21: {  	s3 =	sadd.s32 s3, s9;
	s6 =	sadd.s32 @!p0 $0x88, s6;
	s7 =	simm.s32 @p2 $0x1082  }
0x22: {  	[simem:s7], [sflag:s8] =	dma.local @!p0 [hbm:s6], $0xF7A  }
0x23: {  	s9 =	sor.u32 $0xD0000000, s2;
	s6 =	simm.s32 $0x108;
	_ =	swait.ge @!p0 [sflag:s8], $0x0  }
0x24: {  	s3 =	sadd.s32 $0x88, s3;
	s6 =	simm.s32 @!p1 $0x1082;
	[sflag:s4] =	ssyncset.s32 $0xFFFFF086  }
0x25: {  	[simem:s6], [sflag:s4] =	dma.local [hbm:s3], $0xF7A  }
0x26: {  	[smem:$0x3F9B] =	sst s1;
	(tag) =	ssettag s2;
	_ =	strace s9  }
0x27: {  	s1 =	sld [smem:$0x3FAB]  }
0x28: {  	s2 =	sld [smem:$0x3FAC]  }
0x29: {  	s4 =	sld [smem:$0x3FAE]  }
0x2a: {  	p0 =	seq.s32 s5, $0x0;
	s5 =	sld [smem:$0x3FAF]  }
0x2b: {  	s6 =	sld [smem:$0x3FB0]  }
0x2c: {  	s7 =	sld [smem:$0x3FB1]  }
0x2d: {  	s3 =	simm.s32 $0x108;
	s8 =	sld [smem:$0x3FB2]  }
0x2e: {  	s3 =	simm.s32 @!p0 $0x1082;
	s9 =	sld [smem:$0x3FB3]  }
0x2f: {  	lr =	sadd.s32 s0, s3;
	s0 =	sld [smem:$0x3FAA]  }
0x30: {  	s3 =	sld [smem:$0x3FAD]  }
0x31: {  	[smem:$0x3FB6] =	sst s10  }
0x32: {  	s10 =	sld [smem:$0x3FB4];
	_ =	sdelay $0x3  }
0x33: {  	p0 =	seq.s32 s10, $0x1;
	s10 =	sld [smem:$0x3FB6];
	_ =	sdelay $0x3  }
0x34: {  	[smem:$0x3FB6] =	sst s10  }
0x35: {  	s10 =	sld [smem:$0x3FB5];
	_ =	sdelay $0x3  }
0x36: {  	p1 =	seq.s32 s10, $0x1;
	s10 =	sld [smem:$0x3FB6];
	_ =	sdelay $0x3  }
0x37: {  	[smem:$0x3FB6] =	sst s10  }
0x38: {  	s10 =	sld [smem:$0x3FB7]  }
0x39: {  	_ = 	snop;
	(pc) =	sbr.ind lr, $3  }
0x3a: {  	_ = 	snop  }
0x3b: {  	_ = 	snop  }
0x3c: {  	p2 =	seq.s32 s10, $0x1;
	s10 =	sld [smem:$0x3FB6]  }
0x3d: {  	_ =	shalt  }
0x3e: {  	_ =	shalt  }
0x3f: {  	_ =	shalt  }
0x40: {  	_ =	shalt  }
0x41: {  	_ =	shalt  }
0x42: {  	_ =	shalt  }
0x43: {  	_ =	shalt  }
0x44: {  	_ =	shalt  }
0x45: {  	_ =	shalt  }
0x46: {  	_ =	shalt  }
0x47: {  	_ =	shalt  }
0x48: {  	_ =	shalt  }
0x49: {  	_ =	shalt  }
0x4a: {  	_ =	shalt  }
0x4b: {  	_ =	shalt  }
0x4c: {  	_ =	shalt  }
0x4d: {  	_ =	shalt  }
0x4e: {  	_ =	shalt  }
0x4f: {  	_ =	shalt  }
0x50: {  	_ =	shalt  }
0x51: {  	_ =	shalt  }
0x52: {  	_ =	shalt  }
0x53: {  	_ =	shalt  }
0x54: {  	_ =	shalt  }
0x55: {  	_ =	shalt  }
0x56: {  	_ =	shalt  }
0x57: {  	_ =	shalt  }
0x58: {  	_ =	shalt  }
0x59: {  	_ =	shalt  }
0x5a: {  	_ =	shalt  }
0x5b: {  	_ =	shalt  }
0x5c: {  	_ =	shalt  }
0x5d: {  	_ =	shalt  }
0x5e: {  	_ =	shalt  }
0x5f: {  	_ =	shalt  }
0x60: {  	_ =	shalt  }
0x61: {  	_ =	shalt  }
0x62: {  	_ =	shalt  }
0x63: {  	_ =	shalt  }
0x64: {  	_ =	shalt  }
0x65: {  	_ =	shalt  }
0x66: {  	_ =	shalt  }
0x67: {  	_ =	shalt  }
0x68: {  	_ =	shalt  }
0x69: {  	_ =	shalt  }
0x6a: {  	_ =	shalt  }
0x6b: {  	_ =	shalt  }
0x6c: {  	_ =	shalt  }
0x6d: {  	_ =	shalt  }
0x6e: {  	_ =	shalt  }
0x6f: {  	_ =	shalt  }
0x70: {  	_ =	shalt  }
0x71: {  	_ =	shalt  }
0x72: {  	_ =	shalt  }
0x73: {  	_ =	shalt  }
0x74: {  	_ =	shalt  }
0x75: {  	_ =	shalt  }
0x76: {  	_ =	shalt  }
0x77: {  	_ =	shalt  }
0x78: {  	_ =	shalt  }
0x79: {  	_ =	shalt  }
0x7a: {  	_ =	shalt  }
0x7b: {  	_ =	shalt  }
0x7c: {  	_ =	shalt  }
0x7d: {  	_ =	shalt  }
0x7e: {  	_ =	shalt  }
0x7f: {  	_ =	shalt  }
0x80: {  	_ =	shalt  }
0x81: {  	_ =	shalt  }
0x82: {  	_ =	shalt  }
0x83: {  	_ =	shalt  }
0x84: {  	_ =	shalt  }
0x85: {  	_ =	shalt  }
0x86: {  	_ =	shalt  }
0x87: {  	_ =	shalt  }
.Lfunc_end0:
.L_simem_size_0:
called_computation_lowered:
.L_overlay_start_0:
0x88: {  	s2 =	sld [smem:$0x3FD9]  }
0x89: {  	s3 =	sld [smem:$0x3FFE];
	_ =	sdelay $0x1  }
0x8a: {  	s1 =	srdreg.scid  }
0x8b: {  	s0 =	sand.u32 $0x1, s1  }
0x8c: {  	s17 =	sshll.u32 s0, $0xA;
	s2 =	sadd.s32 s3, s2  }
0x8d: {  	s2 =	sadd.s32 s2, s17  }
0x8e: {  	[smem:$0x3FC2] =	sst s2  }
0x8f: {  	_ = 	snop  }
0x90: {  	s2 =	sld [smem:$0x3FC9];
	(tm) =	ssettm $0x1  }
0x91: {  	s18 =	sld [smem:$0x3FFB];
	_ =	sdelay $0x3  }
0x92: {  	_ =	strace s18  }
0x93: {  	s3 =	sld [smem:$0x3FFC];
	_ =	sdelay $0x3  }
0x94: {  	_ =	strace s3  }
0x95: {  	s3 =	sld [smem:$0x3FFD];
	_ =	sdelay $0x3  }
0x96: {  	_ =	strace s3  }
0x97: {  	_ =	strace $0x8FFFFFFF  }
0x98: {  	s19 =	sld [smem:$0x3FDB];
	_ =	sdelay $0x1  }
0x99: {  	s4 =	simm.s32 $_scs_section_size  }
0x9a: {  	s5 =	simm.s32 $_size__tile_overlayer_lowered;
	s6 =	simm.s32 $_tile_overlayer_lowered  }
0x9b: {  	s22 =	simm.s32 $0x1BFF;
	s21 =	sshll.u32 s6, $0x1;
	s3 =	sadd.s32 s4, s19  }
0x9c: {  	s7 =	simm.s32 $0x0;
	s20 =	sshll.u32 s5, $0x1;
	s5 =	sadd.s32 s21, s3  }
0x9d: {  	[timem:s7], [sflag:s22] =	dma.local [hbm:s5], s20  }
0x9e: {  	_ =	swait.ge [sflag:s22], s20  }
0x9f: {  	s4 =	ssub.s32 $0x0, s20;
	[sflag:s22] =	ssyncset.done $0x0  }
0xa0: {  	[sflag:s22] =	ssyncadd.s32 s4;
	_ =	sdelay $0x1  }
0xa1: {  	s23 =	simm.s32 $0x1B8B  }
0xa2: {  	_ =	swait.ge [sflag:s23], $0x1  }
0xa3: {  	[sflag:s23] =	ssyncset.done $0x0  }
0xa4: {  	s25 =	simm.s32 $0x1B8E;
	s24 =	sld [smem:$0x3FFE];
	[sflag:s23] =	ssyncadd.s32 $0xFFFFFFFF  }
0xa5: {  	s26 =	simm.s32 $execute0_lowered;
	[smem:$0x3FD2] =	sst s25  }
0xa6: {  	s5 =	sshll.u32 s26, $0x1;
	_ =	strace $0x80000046;
	[dreg:$0x1] =	wrdreg $0xFFFFFFFF  }
0xa7: {  	s28 =	simm.s32 $_size_execute0_lowered;
	s3 =	sadd.s32 s3, s5;
	[dreg:$0x0] =	wrdreg $0x0  }
0xa8: {  	s5 =	sshll.u32 s28, $0x1;
	[dreg:$0x2] =	wrdreg s3  }
0xa9: {  	[dreg:$0x3] =	wrdreg s5  }
0xaa: {  	[dreg:$0x4] =	wrdreg $0xC0  }
0xab: {  	_ =	task [dreg:s7], $0x5FFFF  }
0xac: {  	[dreg:$0x1] =	wrdreg $0xFFFFFFFF  }
0xad: {  	[dreg:$0x0] =	wrdreg $0x60  }
0xae: {  	[dreg:$0x2] =	wrdreg s2  }
0xaf: {  	[dreg:$0x3] =	wrdreg s24  }
0xb0: {  	[dreg:$0x4] =	wrdreg $0x9  }
0xb1: {  	_ =	task.clear_ibuf [dreg:s7], $0x5FFFF;
	_ =	strace $0x90000046  }
0xb2: {  	s29 =	simm.s32 $0x9;
	_ =	strace $0x80000048  }
0xb3: {  	_ =	swait.ge [sflag:s29], $0x1  }
0xb4: {  	[sflag:s29] =	ssyncadd.s32 $0xFFFFFFFF  }
0xb5: {  	_ =	strace $0x90000048  }
0xb6: {  	_ =	sfence  }
0xb7: {  	s30 =	sld [smem:$0x0];
	_ =	sdelay $0x2  }
0xb8: {  	s31 =	sshll.u32 s1, $0xD;
	s1 =	sshrl.u32 s1, $0x2  }
0xb9: {  	s3 =	sand.u32 $0x4000, s31;
	s1 =	sadd.s32 s1, s30  }
0xba: {  	s0 =	sor.u32 s3, s0;
	s1 =	sshll.u32 s1, $0x11  }
0xbb: {  	s0 =	sor.u32 s1, s0  }
0xbc: {  	s0 =	sadd.s32 $0x8F2B, s0  }
0xbd: {  	[sflag:s0] =	ssyncadd.remote.s32 $0x1  }
0xbe: {  	_ =	sfence.sel $0xFFFF  }
0xbf: {  	[dreg:$0x0] =	wrdreg $0xFFFFFFFF;
	(pc) =	sbr.abs _section_cstart, $3  }
0xc0: {  	[dreg:$0x1] =	wrdreg $0xFFFFFFFF  }
0xc1: {  	_ =	task.clear_ibuf [dreg:s7], $0x2FFFF;
	_ =	strace $0x9FFFFFFF  }
0xc2: {  	(tm) =	ssettm $0x7FFFFFFF  }
0xc3: {  	_ =	shalt  }
tec
execute0_lowered:
.L_overlay_start_1:
0x0: {  	(tag) =	ssettag $0x1  }
0x1: {  	s0 =	rddreg [dreg:$0x0];
	s1 =	srdreg.scid  }
0x2: {  	s2 =	stileid.u32;
	s6 =	rddreg [dreg:$0x1];
	s25 =	simm.s32 $0x10000  }
0x3: {  	s8 =	simm.s32 $0x2;
	s26 =	simm.s32 $0x10080;
	s19 =	simm.s32 $0x1800  }
0x4: {  	s20 =	simm.s32 $0x2000;
	s21 =	simm.s32 $0x2800;
	s28 =	simm.s32 $0x5800  }
0x5: {  	s29 =	simm.s32 $0x6000;
	s30 =	simm.s32 $0x6800;
	s31 =	simm.s32 $0x7000  }
0x6: {  	s9 =	simm.s32 $0x8800;
	s10 =	simm.s32 $0x9000;
	s11 =	simm.s32 $0x9800  }
0x7: {  	s12 =	simm.s32 $0xA000;
	s13 =	simm.s32 $0xA800;
	s14 =	simm.s32 $0xB000  }
0x8: {  	s15 =	simm.s32 $0xB800;
	s1 =	sand.u32 $0x1, s1;
	s3 =	sshll.u32 s2, $0x1  }
0x9: {  	s16 =	simm.s32 $0xC000;
	s2 =	simm.s32 $0x0;
	s3 =	sor.u32 s1, s3  }
0xa: {  	[smem:$0x7FF] =	sst s2;
	s1 =	ssub.s32 $0x2, s1;
	s4 =	sshll.u32 s3, $0x4  }
0xb: {  	_ =	strace $0x80000047;
	s5 =	sshll.u32 s3, $0xD;
	[dreg:$0x6] =	wrdreg s25  }
0xc: {  	s3 =	sadd.s32 $0x1E00, s6;
	s22 =	sshrl.u32 s1, $0x1;
	[dreg:$0x7] =	wrdreg s26  }
0xd: {  	s25 =	simm.s32 $0x4800;
	s26 =	simm.s32 $0x5000;
	s4 =	sadd.s32 s4, s6  }
0xe: {  	s0 =	sadd.s32 s0, s5;
	s1 =	ssub.s32 s1, s22;
	s5 =	sadd.s32 $0x2000, s6  }
0xf: {  	s22 =	simm.s32 $0x3000;
	[dreg:$0x3] =	wrdreg s0;
	s23 =	sadd.s32 $0x1A00, s4  }
0x10: {  	v2 =	vlaneseq.u32;
	s24 =	sadd.s32 $0x1C00, s4;
	s4 =	sadd.s32 $0x1F00, s6;
	s6 =	sadd.s32 $0x2100, s6  }
0x11: {  	vm0 =	vmmov $0xffff;
	v1 =	vshrl.u32 v2, $0x3;
	s7 =	smax.u32 s1, $0x1;
	s1 =	simm.s32 $0x7800;
	[dreg:$0x4] =	wrdreg s23  }
0x12: {  	v0 =	vand.u32 $0x7, v2;
	v2 =	vor.u32 $0x8, v2;
	v1 =	vmul.u32 $0x8, v1;
	[dreg:$0x5] =	wrdreg s24;
	s23 =	simm.s32 $0x3800;
	s24 =	simm.s32 $0x4000  }
.LBB2_1:
0x13: {  	s17 =	rddreg [dreg:$0x3]  }
0x14: {  	[tilespmem:s2], [sflag:$0x2] =	stream.linear.gather [hbm4b:s17+s2], $0x10000, $0x38;
	[tilespmem:$0x10100] =	vst v63  }
0x15: {  	_ =	swait.ge [sflag:s8], $0x10000  }
0x16: {  	s0 =	rddreg [dreg:$0x4];
	[sflag:s8] =	ssyncset.done $0x0  }
0x17: {  	s18 =	rddreg [dreg:$0x6];
	[sflag:s8] =	ssyncadd.s32 $0xFFFF0000  }
0x18: {  	[tilespmem:s18], [sflag:$0x2] =	stream.linear.gather [hbm4b:s0+s2], $0x80, $0x38;
	[tilespmem:$0x10100] =	vst v63  }
0x19: {  	_ =	swait.ge [sflag:s8], $0x80  }
0x1a: {  	s18 =	rddreg [dreg:$0x5];
	[sflag:s8] =	ssyncset.done $0x0  }
0x1b: {  	s0 =	rddreg [dreg:$0x7];
	[sflag:s8] =	ssyncadd.s32 $0xFFFFFF80  }
0x1c: {  	[tilespmem:s0], [sflag:$0x2] =	stream.linear.gather [hbm4b:s18+s2], $0x80, $0x38;
	[tilespmem:$0x10100] =	vst v63  }
0x1d: {  	_ =	swait.ge [sflag:s8], $0x80  }
0x1e: {  	[sflag:s8] =	ssyncset.done $0x0  }
0x1f: {  	[sflag:s8] =	ssyncadd.s32 $0xFFFFFF80  }
0x20: {  	v3 =	vld [tilespmem:$0x10000];
	_ =	sdelay $0x4  }
0x21: {  	v4 =	vshll.u32 v3, $0x3  }
0x22: {  	v3 =	vand.u32 $0x7, v3;
	v4 =	vand.u32 $0xFFFFFFC0, v4  }
0x23: {  	v3 =	vor.u32 v3, v4  }
0x24: {  	v4 =	vperm.xlane v3, v0;
	_ =	sdelay $0x1  }
0x25: {  	v4 =	vadd.s32 v1, v4;
	_ =	sdelay $0x4  }
0x26: {  	[hbm4b:s3+s2] =	stream.indirect_vreg.scatter [tilespmem:s2], [sflag:$0x1], $0x80, v4, vm0, $0xb8;
	[tilespmem:$0x10100] =	vst v63  }
0x27: {  	s17 =	simm.s32 $0x800;
	v3 =	vperm.xlane v3, v2  }
0x28: {  	[hbm4b:s4+s2] =	stream.indirect_vreg.scatter [tilespmem:s17], [sflag:$0x1], $0x80, v4, vm0, $0xb8;
	[tilespmem:$0x10100] =	vst v63  }
0x29: {  	s18 =	simm.s32 $0x1000;
	v3 =	vadd.s32 v1, v3  }
0x2a: {  	[hbm4b:s5+s2] =	stream.indirect_vreg.scatter [tilespmem:s18], [sflag:$0x1], $0x80, v4, vm0, $0xb8;
	[tilespmem:$0x10100] =	vst v63  }
0x2b: {  	_ = 	snop  }
0x2c: {  	[hbm4b:s6+s2] =	stream.indirect_vreg.scatter [tilespmem:s19], [sflag:$0x1], $0x80, v4, vm0, $0xb8;
	[tilespmem:$0x10100] =	vst v63  }
0x2d: {  	_ = 	snop  }
0x2e: {  	[hbm4b:s3+s2] =	stream.indirect_vreg.scatter [tilespmem:s20], [sflag:$0x1], $0x80, v3, vm0, $0xb8;
	[tilespmem:$0x10100] =	vst v63  }
0x2f: {  	_ = 	snop  }
0x30: {  	[hbm4b:s4+s2] =	stream.indirect_vreg.scatter [tilespmem:s21], [sflag:$0x1], $0x80, v3, vm0, $0xb8;
	[tilespmem:$0x10100] =	vst v63  }
0x31: {  	_ = 	snop  }
0x32: {  	[hbm4b:s5+s2] =	stream.indirect_vreg.scatter [tilespmem:s22], [sflag:$0x1], $0x80, v3, vm0, $0xb8;
	[tilespmem:$0x10100] =	vst v63  }
0x33: {  	_ = 	snop  }
0x34: {  	[hbm4b:s6+s2] =	stream.indirect_vreg.scatter [tilespmem:s23], [sflag:$0x1], $0x80, v3, vm0, $0xb8;
	[tilespmem:$0x10100] =	vst v63  }
0x35: {  	v3 =	vld [tilespmem:$0x10010];
	_ =	sdelay $0x4  }
0x36: {  	v57 =	vshll.u32 v3, $0x3  }
0x37: {  	v3 =	vand.u32 $0x7, v3;
	v4 =	vand.u32 $0xFFFFFFC0, v57  }
0x38: {  	v3 =	vor.u32 v3, v4  }
0x39: {  	v4 =	vperm.xlane v3, v0;
	_ =	sdelay $0x1  }
0x3a: {  	v4 =	vadd.s32 v1, v4;
	_ =	sdelay $0x4  }
0x3b: {  	[hbm4b:s3+s2] =	stream.indirect_vreg.scatter [tilespmem:s24], [sflag:$0x1], $0x80, v4, vm0, $0xb8;
	[tilespmem:$0x10100] =	vst v63  }
0x3c: {  	v3 =	vperm.xlane v3, v2  }
0x3d: {  	[hbm4b:s4+s2] =	stream.indirect_vreg.scatter [tilespmem:s25], [sflag:$0x1], $0x80, v4, vm0, $0xb8;
	[tilespmem:$0x10100] =	vst v63  }
0x3e: {  	v3 =	vadd.s32 v1, v3  }
0x3f: {  	[hbm4b:s5+s2] =	stream.indirect_vreg.scatter [tilespmem:s26], [sflag:$0x1], $0x80, v4, vm0, $0xb8;
	[tilespmem:$0x10100] =	vst v63  }
0x40: {  	_ = 	snop  }
0x41: {  	[hbm4b:s6+s2] =	stream.indirect_vreg.scatter [tilespmem:s28], [sflag:$0x1], $0x80, v4, vm0, $0xb8;
	[tilespmem:$0x10100] =	vst v63  }
0x42: {  	_ = 	snop  }
0x43: {  	[hbm4b:s3+s2] =	stream.indirect_vreg.scatter [tilespmem:s29], [sflag:$0x1], $0x80, v3, vm0, $0xb8;
	[tilespmem:$0x10100] =	vst v63  }
0x44: {  	_ = 	snop  }
0x45: {  	[hbm4b:s4+s2] =	stream.indirect_vreg.scatter [tilespmem:s30], [sflag:$0x1], $0x80, v3, vm0, $0xb8;
	[tilespmem:$0x10100] =	vst v63  }
0x46: {  	_ = 	snop  }
0x47: {  	[hbm4b:s5+s2] =	stream.indirect_vreg.scatter [tilespmem:s31], [sflag:$0x1], $0x80, v3, vm0, $0xb8;
	[tilespmem:$0x10100] =	vst v63  }
0x48: {  	_ = 	snop  }
0x49: {  	[hbm4b:s6+s2] =	stream.indirect_vreg.scatter [tilespmem:s1], [sflag:$0x1], $0x80, v3, vm0, $0xb8;
	[tilespmem:$0x10100] =	vst v63  }
0x4a: {  	v3 =	vld [tilespmem:$0x10020];
	_ =	sdelay $0x4  }
0x4b: {  	v58 =	vshll.u32 v3, $0x3  }
0x4c: {  	v3 =	vand.u32 $0x7, v3;
	v4 =	vand.u32 $0xFFFFFFC0, v58  }
0x4d: {  	v3 =	vor.u32 v3, v4  }
0x4e: {  	v4 =	vperm.xlane v3, v0;
	_ =	sdelay $0x1  }
0x4f: {  	v4 =	vadd.s32 v1, v4;
	_ =	sdelay $0x3  }
0x50: {  	s0 =	simm.s32 $0x8000  }
0x51: {  	[hbm4b:s3+s2] =	stream.indirect_vreg.scatter [tilespmem:s0], [sflag:$0x1], $0x80, v4, vm0, $0xb8;
	[tilespmem:$0x10100] =	vst v63  }
0x52: {  	v3 =	vperm.xlane v3, v2  }
0x53: {  	[hbm4b:s4+s2] =	stream.indirect_vreg.scatter [tilespmem:s9], [sflag:$0x1], $0x80, v4, vm0, $0xb8;
	[tilespmem:$0x10100] =	vst v63  }
0x54: {  	v3 =	vadd.s32 v1, v3  }
0x55: {  	[hbm4b:s5+s2] =	stream.indirect_vreg.scatter [tilespmem:s10], [sflag:$0x1], $0x80, v4, vm0, $0xb8;
	[tilespmem:$0x10100] =	vst v63  }
0x56: {  	_ = 	snop  }
0x57: {  	[hbm4b:s6+s2] =	stream.indirect_vreg.scatter [tilespmem:s11], [sflag:$0x1], $0x80, v4, vm0, $0xb8;
	[tilespmem:$0x10100] =	vst v63  }
0x58: {  	_ = 	snop  }
0x59: {  	[hbm4b:s3+s2] =	stream.indirect_vreg.scatter [tilespmem:s12], [sflag:$0x1], $0x80, v3, vm0, $0xb8;
	[tilespmem:$0x10100] =	vst v63  }
0x5a: {  	_ = 	snop  }
0x5b: {  	[hbm4b:s4+s2] =	stream.indirect_vreg.scatter [tilespmem:s13], [sflag:$0x1], $0x80, v3, vm0, $0xb8;
	[tilespmem:$0x10100] =	vst v63  }
0x5c: {  	_ = 	snop  }
0x5d: {  	[hbm4b:s5+s2] =	stream.indirect_vreg.scatter [tilespmem:s14], [sflag:$0x1], $0x80, v3, vm0, $0xb8;
	[tilespmem:$0x10100] =	vst v63  }
0x5e: {  	_ = 	snop  }
0x5f: {  	[hbm4b:s6+s2] =	stream.indirect_vreg.scatter [tilespmem:s15], [sflag:$0x1], $0x80, v3, vm0, $0xb8;
	[tilespmem:$0x10100] =	vst v63  }
0x60: {  	v3 =	vld [tilespmem:$0x10030];
	_ =	sdelay $0x4  }
0x61: {  	v59 =	vshll.u32 v3, $0x3  }
0x62: {  	v3 =	vand.u32 $0x7, v3;
	v4 =	vand.u32 $0xFFFFFFC0, v59  }
0x63: {  	v3 =	vor.u32 v3, v4  }
0x64: {  	v4 =	vperm.xlane v3, v0;
	_ =	sdelay $0x1  }
0x65: {  	v4 =	vadd.s32 v1, v4;
	_ =	sdelay $0x4  }
0x66: {  	[hbm4b:s3+s2] =	stream.indirect_vreg.scatter [tilespmem:s16], [sflag:$0x1], $0x80, v4, vm0, $0xb8;
	[tilespmem:$0x10100] =	vst v63  }
0x67: {  	s0 =	simm.s32 $0xC800;
	v3 =	vperm.xlane v3, v2  }
0x68: {  	[hbm4b:s4+s2] =	stream.indirect_vreg.scatter [tilespmem:s0], [sflag:$0x1], $0x80, v4, vm0, $0xb8;
	[tilespmem:$0x10100] =	vst v63  }
0x69: {  	v3 =	vadd.s32 v1, v3;
	s0 =	simm.s32 $0xD000  }
0x6a: {  	[hbm4b:s5+s2] =	stream.indirect_vreg.scatter [tilespmem:s0], [sflag:$0x1], $0x80, v4, vm0, $0xb8;
	[tilespmem:$0x10100] =	vst v63  }
0x6b: {  	s0 =	simm.s32 $0xD800  }
0x6c: {  	[hbm4b:s6+s2] =	stream.indirect_vreg.scatter [tilespmem:s0], [sflag:$0x1], $0x80, v4, vm0, $0xb8;
	[tilespmem:$0x10100] =	vst v63  }
0x6d: {  	s0 =	simm.s32 $0xE000  }
0x6e: {  	[hbm4b:s3+s2] =	stream.indirect_vreg.scatter [tilespmem:s0], [sflag:$0x1], $0x80, v3, vm0, $0xb8;
	[tilespmem:$0x10100] =	vst v63  }
0x6f: {  	s0 =	simm.s32 $0xE800  }
0x70: {  	[hbm4b:s4+s2] =	stream.indirect_vreg.scatter [tilespmem:s0], [sflag:$0x1], $0x80, v3, vm0, $0xb8;
	[tilespmem:$0x10100] =	vst v63  }
0x71: {  	s0 =	simm.s32 $0xF000  }
0x72: {  	[hbm4b:s5+s2] =	stream.indirect_vreg.scatter [tilespmem:s0], [sflag:$0x1], $0x80, v3, vm0, $0xb8;
	[tilespmem:$0x10100] =	vst v63  }
0x73: {  	s0 =	simm.s32 $0xF800  }
0x74: {  	[hbm4b:s6+s2] =	stream.indirect_vreg.scatter [tilespmem:s0], [sflag:$0x1], $0x80, v3, vm0, $0xb8;
	[tilespmem:$0x10100] =	vst v63  }
0x75: {  	v3 =	vld [tilespmem:$0x10080];
	_ =	sdelay $0x4  }
0x76: {  	v60 =	vshll.u32 v3, $0x3  }
0x77: {  	v3 =	vand.u32 $0x7, v3;
	v4 =	vand.u32 $0xFFFFFFC0, v60  }
0x78: {  	v3 =	vor.u32 v3, v4  }
0x79: {  	v4 =	vperm.xlane v3, v0;
	_ =	sdelay $0x1  }
0x7a: {  	v4 =	vadd.s32 v1, v4;
	_ =	sdelay $0x4  }
0x7b: {  	[hbm4b:s3+s2] =	stream.indirect_vreg.scatter [tilespmem:s2], [sflag:$0x1], $0x80, v4, vm0, $0xb8;
	[tilespmem:$0x10100] =	vst v63  }
0x7c: {  	v3 =	vperm.xlane v3, v2  }
0x7d: {  	[hbm4b:s4+s2] =	stream.indirect_vreg.scatter [tilespmem:s17], [sflag:$0x1], $0x80, v4, vm0, $0xb8;
	[tilespmem:$0x10100] =	vst v63  }
0x7e: {  	v3 =	vadd.s32 v1, v3  }
0x7f: {  	[hbm4b:s5+s2] =	stream.indirect_vreg.scatter [tilespmem:s18], [sflag:$0x1], $0x80, v4, vm0, $0xb8;
	[tilespmem:$0x10100] =	vst v63  }
0x80: {  	_ = 	snop  }
0x81: {  	[hbm4b:s6+s2] =	stream.indirect_vreg.scatter [tilespmem:s19], [sflag:$0x1], $0x80, v4, vm0, $0xb8;
	[tilespmem:$0x10100] =	vst v63  }
0x82: {  	_ = 	snop  }
0x83: {  	[hbm4b:s3+s2] =	stream.indirect_vreg.scatter [tilespmem:s20], [sflag:$0x1], $0x80, v3, vm0, $0xb8;
	[tilespmem:$0x10100] =	vst v63  }
0x84: {  	_ = 	snop  }
0x85: {  	[hbm4b:s4+s2] =	stream.indirect_vreg.scatter [tilespmem:s21], [sflag:$0x1], $0x80, v3, vm0, $0xb8;
	[tilespmem:$0x10100] =	vst v63  }
0x86: {  	_ = 	snop  }
0x87: {  	[hbm4b:s5+s2] =	stream.indirect_vreg.scatter [tilespmem:s22], [sflag:$0x1], $0x80, v3, vm0, $0xb8;
	[tilespmem:$0x10100] =	vst v63  }
0x88: {  	_ = 	snop  }
0x89: {  	[hbm4b:s6+s2] =	stream.indirect_vreg.scatter [tilespmem:s23], [sflag:$0x1], $0x80, v3, vm0, $0xb8;
	[tilespmem:$0x10100] =	vst v63  }
0x8a: {  	v3 =	vld [tilespmem:$0x10090];
	_ =	sdelay $0x4  }
0x8b: {  	v61 =	vshll.u32 v3, $0x3  }
0x8c: {  	v3 =	vand.u32 $0x7, v3;
	v4 =	vand.u32 $0xFFFFFFC0, v61  }
0x8d: {  	v3 =	vor.u32 v3, v4  }
0x8e: {  	v4 =	vperm.xlane v3, v0;
	_ =	sdelay $0x1  }
0x8f: {  	v4 =	vadd.s32 v1, v4;
	_ =	sdelay $0x4  }
0x90: {  	[hbm4b:s3+s2] =	stream.indirect_vreg.scatter [tilespmem:s24], [sflag:$0x1], $0x80, v4, vm0, $0xb8;
	[tilespmem:$0x10100] =	vst v63  }
0x91: {  	v3 =	vperm.xlane v3, v2  }
0x92: {  	[hbm4b:s4+s2] =	stream.indirect_vreg.scatter [tilespmem:s25], [sflag:$0x1], $0x80, v4, vm0, $0xb8;
	[tilespmem:$0x10100] =	vst v63  }
0x93: {  	v3 =	vadd.s32 v1, v3  }
0x94: {  	[hbm4b:s5+s2] =	stream.indirect_vreg.scatter [tilespmem:s26], [sflag:$0x1], $0x80, v4, vm0, $0xb8;
	[tilespmem:$0x10100] =	vst v63  }
0x95: {  	_ = 	snop  }
0x96: {  	[hbm4b:s6+s2] =	stream.indirect_vreg.scatter [tilespmem:s28], [sflag:$0x1], $0x80, v4, vm0, $0xb8;
	[tilespmem:$0x10100] =	vst v63  }
0x97: {  	_ = 	snop  }
0x98: {  	[hbm4b:s3+s2] =	stream.indirect_vreg.scatter [tilespmem:s29], [sflag:$0x1], $0x80, v3, vm0, $0xb8;
	[tilespmem:$0x10100] =	vst v63  }
0x99: {  	_ = 	snop  }
0x9a: {  	[hbm4b:s4+s2] =	stream.indirect_vreg.scatter [tilespmem:s30], [sflag:$0x1], $0x80, v3, vm0, $0xb8;
	[tilespmem:$0x10100] =	vst v63  }
0x9b: {  	_ = 	snop  }
0x9c: {  	[hbm4b:s5+s2] =	stream.indirect_vreg.scatter [tilespmem:s31], [sflag:$0x1], $0x80, v3, vm0, $0xb8;
	[tilespmem:$0x10100] =	vst v63  }
0x9d: {  	_ = 	snop  }
0x9e: {  	[hbm4b:s6+s2] =	stream.indirect_vreg.scatter [tilespmem:s1], [sflag:$0x1], $0x80, v3, vm0, $0xb8;
	[tilespmem:$0x10100] =	vst v63  }
0x9f: {  	v3 =	vld [tilespmem:$0x100A0];
	_ =	sdelay $0x4  }
0xa0: {  	v62 =	vshll.u32 v3, $0x3  }
0xa1: {  	v3 =	vand.u32 $0x7, v3;
	v4 =	vand.u32 $0xFFFFFFC0, v62  }
0xa2: {  	v3 =	vor.u32 v3, v4  }
0xa3: {  	v4 =	vperm.xlane v3, v0;
	_ =	sdelay $0x1  }
0xa4: {  	v4 =	vadd.s32 v1, v4;
	_ =	sdelay $0x3  }
0xa5: {  	s18 =	simm.s32 $0x8000  }
0xa6: {  	[hbm4b:s3+s2] =	stream.indirect_vreg.scatter [tilespmem:s18], [sflag:$0x1], $0x80, v4, vm0, $0xb8;
	[tilespmem:$0x10100] =	vst v63  }
0xa7: {  	v3 =	vperm.xlane v3, v2  }
0xa8: {  	[hbm4b:s4+s2] =	stream.indirect_vreg.scatter [tilespmem:s9], [sflag:$0x1], $0x80, v4, vm0, $0xb8;
	[tilespmem:$0x10100] =	vst v63  }
0xa9: {  	v3 =	vadd.s32 v1, v3  }
0xaa: {  	[hbm4b:s5+s2] =	stream.indirect_vreg.scatter [tilespmem:s10], [sflag:$0x1], $0x80, v4, vm0, $0xb8;
	[tilespmem:$0x10100] =	vst v63  }
0xab: {  	_ = 	snop  }
0xac: {  	[hbm4b:s6+s2] =	stream.indirect_vreg.scatter [tilespmem:s11], [sflag:$0x1], $0x80, v4, vm0, $0xb8;
	[tilespmem:$0x10100] =	vst v63  }
0xad: {  	_ = 	snop  }
0xae: {  	[hbm4b:s3+s2] =	stream.indirect_vreg.scatter [tilespmem:s12], [sflag:$0x1], $0x80, v3, vm0, $0xb8;
	[tilespmem:$0x10100] =	vst v63  }
0xaf: {  	_ = 	snop  }
0xb0: {  	[hbm4b:s4+s2] =	stream.indirect_vreg.scatter [tilespmem:s13], [sflag:$0x1], $0x80, v3, vm0, $0xb8;
	[tilespmem:$0x10100] =	vst v63  }
0xb1: {  	_ = 	snop  }
0xb2: {  	[hbm4b:s5+s2] =	stream.indirect_vreg.scatter [tilespmem:s14], [sflag:$0x1], $0x80, v3, vm0, $0xb8;
	[tilespmem:$0x10100] =	vst v63  }
0xb3: {  	_ = 	snop  }
0xb4: {  	[hbm4b:s6+s2] =	stream.indirect_vreg.scatter [tilespmem:s15], [sflag:$0x1], $0x80, v3, vm0, $0xb8;
	[tilespmem:$0x10100] =	vst v63  }
0xb5: {  	v3 =	vld [tilespmem:$0x100B0];
	_ =	sdelay $0x4  }
0xb6: {  	v63 =	vshll.u32 v3, $0x3  }
0xb7: {  	v3 =	vand.u32 $0x7, v3;
	v4 =	vand.u32 $0xFFFFFFC0, v63  }
0xb8: {  	v3 =	vor.u32 v3, v4  }
0xb9: {  	v4 =	vperm.xlane v3, v0;
	_ =	sdelay $0x1  }
0xba: {  	v4 =	vadd.s32 v1, v4;
	_ =	sdelay $0x4  }
0xbb: {  	[hbm4b:s3+s2] =	stream.indirect_vreg.scatter [tilespmem:s16], [sflag:$0x1], $0x80, v4, vm0, $0xb8;
	[tilespmem:$0x10100] =	vst v63  }
0xbc: {  	s17 =	simm.s32 $0xC800;
	v3 =	vperm.xlane v3, v2  }
0xbd: {  	[hbm4b:s4+s2] =	stream.indirect_vreg.scatter [tilespmem:s17], [sflag:$0x1], $0x80, v4, vm0, $0xb8;
	[tilespmem:$0x10100] =	vst v63  }
0xbe: {  	s18 =	simm.s32 $0xD000;
	v3 =	vadd.s32 v1, v3  }
0xbf: {  	[hbm4b:s5+s2] =	stream.indirect_vreg.scatter [tilespmem:s18], [sflag:$0x1], $0x80, v4, vm0, $0xb8;
	[tilespmem:$0x10100] =	vst v63  }
0xc0: {  	s17 =	simm.s32 $0xD800  }
0xc1: {  	[hbm4b:s6+s2] =	stream.indirect_vreg.scatter [tilespmem:s17], [sflag:$0x1], $0x80, v4, vm0, $0xb8;
	[tilespmem:$0x10100] =	vst v63  }
0xc2: {  	s18 =	simm.s32 $0xE000  }
0xc3: {  	[hbm4b:s3+s2] =	stream.indirect_vreg.scatter [tilespmem:s18], [sflag:$0x1], $0x80, v3, vm0, $0xb8;
	[tilespmem:$0x10100] =	vst v63  }
0xc4: {  	s17 =	simm.s32 $0xE800  }
0xc5: {  	[hbm4b:s4+s2] =	stream.indirect_vreg.scatter [tilespmem:s17], [sflag:$0x1], $0x80, v3, vm0, $0xb8;
	[tilespmem:$0x10100] =	vst v63  }
0xc6: {  	s18 =	simm.s32 $0xF000  }
0xc7: {  	[hbm4b:s5+s2] =	stream.indirect_vreg.scatter [tilespmem:s18], [sflag:$0x1], $0x80, v3, vm0, $0xb8;
	[tilespmem:$0x10100] =	vst v63  }
0xc8: {  	s17 =	simm.s32 $0xF800;
	s18 =	simm.s32 $0x1  }
0xc9: {  	[hbm4b:s6+s2] =	stream.indirect_vreg.scatter [tilespmem:s17], [sflag:$0x1], $0x80, v3, vm0, $0xb8;
	[tilespmem:$0x10100] =	vst v63  }
0xca: {  	p0 =	sne.s32 s7, $0x1;
	_ =	swait.ge [sflag:s18], $0x10000  }
.Ltmp0:
0xcb: {  	[sflag:s18] =	ssyncset.done $0x0;
	(pc) =	sbr.rel @p0 .LBB2_1-.Ltmp0, $4  }
0xcc: {  	[sflag:s18] =	ssyncadd.s32 $0xFFFF0000  }
0xcd: {  	_ =	swait.ge [sflag:s18], $0x10000  }
0xce: {  	[sflag:s18] =	ssyncset.done $0x0  }
0xcf: {  	s7 =	sadd.s32 $0xFFFFFFFF, s7;
	[sflag:s18] =	ssyncadd.s32 $0xFFFF0000  }
0xd0: {  	_ =	sfence.sel $0x180000  }
0xd1: {  	[bflag:$0x0] =	sbarrier.arrive $0xFFFF  }
0xd2: {  	_ =	strace $0x90000047  }
0xd3: {  	s0 =	stileid.u32;
	[bflag:$0x2] =	sbarrier.arrive $0xFFFF  }
0xd4: {  	p0 =	sne.s32 s0, $0x0;
	s0 =	rddreg [dreg:$0x2]  }
0xd5: {  	s0 =	sadd.s32 @!p0 $0x100000, s0  }
0xd6: {  	[sflag:s0] =	ssyncadd.tile.s32 @!p0 $0x1;
	_ =	shalt  }
.Lfunc_end2:
_tile_overlayer_lowered:
.L_overlay_start_2:
0xd7: {  	(tag) =	ssettag $0x2  }
0xd8: {  	s0 =	rddreg [dreg:$0x0];
	s2 =	stileid.u32  }
0xd9: {  	s1 =	rddreg [dreg:$0x1];
	p0 =	sne.s32 s2, $0x0  }
0xda: {  	s3 =	rddreg [dreg:$0x2];
	[bflag:$0x3] =	sbarrier.arrive $0xFFFF;
	s2 =	simm.s32 @!p0 $0x1C02  }
0xdb: {  	[timem:s3], [sflag:s2] =	dma.local @!p0 [hbm:s0], s1  }
0xdc: {  	s0 =	simm.s32 @!p0 $0x2  }
0xdd: {  	_ =	swait.ge @!p0 [sflag:s0], s1  }
0xde: {  	s1 =	ssub.s32 @!p0 $0x0, s1;
	[sflag:s0] =	ssyncset.done @!p0 $0x0  }
0xdf: {  	[sflag:s0] =	ssyncadd.s32 @!p0 s1  }
0xe0: {  	[bflag:$0x3] =	sbarrier.arrive $0xFFFF  }
0xe1: {  	_ =	shalt  }

</sc_bundles>
